<compile_context>
chip_gen: v7x
topology: tpu7x:2x2x1
jax: 0.10.2.dev20260603
libtpu: 0.0.44.dev20260713+nightly
codegen_flags: <defaults>
</compile_context>

<pallas_src>
import functools

import jax
import jax.numpy as jnp
from jax import lax
from jax.experimental import pallas as pl
from jax.experimental.pallas import tpu as pltpu
from jax.experimental.pallas import tpu_sc as plsc

_D = 64
_K = 1024
_M = 4096
_NC = 2
_NS = 16
_NW = _NC * _NS
_CH = 128
_WAVE = 11


_RB = 36


def _conv_body(xa_ref, xb_ref, w_ref, b_ref, o_ref, *, wout, cin, cout, act):
    xa = xa_ref[0]
    xb = xb_ref[0][:4]
    x = jnp.concatenate([xa, xb], axis=0)
    xc = jnp.concatenate([x[:, dx:dx + wout, :] for dx in range(5)], axis=2)
    xcb = xc.astype(jnp.bfloat16).reshape((_RB + 4) * wout, 5 * cin)
    u = lax.dot_general(xcb, w_ref[...], (((1,), (0,)), ((), ())),
                        preferred_element_type=jnp.float32)
    u = u.reshape(_RB + 4, wout, 5 * cout)
    y = u[0:_RB, :, 0:cout]
    for dy in range(1, 5):
        y = y + u[dy:dy + _RB, :, dy * cout:(dy + 1) * cout]
    y = y + b_ref[...][0]
    if act:
        alpha, scale = 1.6732632423543772, 1.0507009873554805
        y = scale * jnp.where(y > 0, y, alpha * (jnp.exp(y) - 1.0))
    o_ref[0] = y


def _pconv(x, w, b, act):
    bb, hin, win, cin = x.shape
    cout = w.shape[0]
    hout, wout = hin - 4, win - 4
    nblk = -(-hout // _RB)
    nin_blk = -(-hin // _RB)
    wmat = jnp.transpose(w, (3, 1, 2, 0)).reshape(5 * cin, 5 * cout)
    wmat = wmat.astype(jnp.bfloat16)
    body = functools.partial(_conv_body, wout=wout, cin=cin, cout=cout,
                             act=act)
    return pl.pallas_call(
        body,
        grid=(bb, nblk),
        in_specs=[
            pl.BlockSpec((1, _RB, win, cin), lambda bi, i: (bi, i, 0, 0)),
            pl.BlockSpec((1, _RB, win, cin),
                         lambda bi, i: (bi, jnp.minimum(i + 1, nin_blk - 1),
                                        0, 0)),
            pl.BlockSpec((5 * cin, 5 * cout), lambda bi, i: (0, 0)),
            pl.BlockSpec((1, cout), lambda bi, i: (0, 0)),
        ],
        out_specs=pl.BlockSpec((1, _RB, wout, cout),
                               lambda bi, i: (bi, i, 0, 0)),
        out_shape=jax.ShapeDtypeStruct((bb, hout, wout, cout), jnp.float32),
    )(x, x, wmat, b.reshape(1, cout))


def _vq_argmin_body(zb_ref, z2_ref, eb_ref, e2_ref, idx_ref):
    scores = lax.dot_general(zb_ref[...], eb_ref[...],
                             (((1,), (1,)), ((), ())),
                             preferred_element_type=jnp.float32)
    d = z2_ref[0] - 2.0 * scores + e2_ref[...]
    m = jnp.min(d, axis=1, keepdims=True)
    iota = lax.broadcasted_iota(jnp.int32, d.shape, 1)
    idx = jnp.min(jnp.where(d == m, iota, _K - 1), axis=1)
    idx_ref[...] = idx[None, None, :]


def _vq_argmin(zt, emb, nblk):
    n0 = zt.shape[0]
    zb = zt.astype(jnp.bfloat16)
    z2 = jnp.pad(jnp.sum(zt * zt, axis=-1), (0, nblk * _M - n0))
    z2 = z2.reshape(nblk, _M, 1)
    eb = emb.astype(jnp.bfloat16)
    e2 = jnp.sum(emb ** 2, axis=-1)[None, :]
    return pl.pallas_call(
        _vq_argmin_body,
        grid=(nblk,),
        in_specs=[
            pl.BlockSpec((_M, _D), lambda i: (i, 0)),
            pl.BlockSpec((1, _M, 1), lambda i: (i, 0, 0)),
            pl.BlockSpec((_K, _D), lambda i: (0, 0)),
            pl.BlockSpec((1, _K), lambda i: (0, 0)),
        ],
        out_specs=pl.BlockSpec((1, 1, _M), lambda i: (i, 0, 0)),
        out_shape=jax.ShapeDtypeStruct((nblk, 1, _M), jnp.int32),
    )(zb, z2, eb, e2).reshape(nblk * _M)


def _sc_gather(idx3d, emb):
    rpw = idx3d.shape[1]
    n = _NW * rpw * _CH
    nwave = rpw // _WAVE
    mesh = plsc.VectorSubcoreMesh(core_axis_name="c", subcore_axis_name="s")

    @functools.partial(
        pl.kernel, mesh=mesh,
        compiler_params=pltpu.CompilerParams(use_tc_tiling_on_sc=False),
        out_type=jax.ShapeDtypeStruct((n, _D), jnp.float32),
        scratch_types=[
            pltpu.VMEM((rpw, _CH), jnp.int32),
            pltpu.VMEM((_WAVE * _CH, _D), jnp.float32),
            pltpu.SemaphoreType.DMA,
        ],
    )
    def k(idx_hbm, emb_hbm, out_hbm, idx_v, rows_v, sem):
        wid = lax.axis_index("s") * _NC + lax.axis_index("c")
        pltpu.sync_copy(idx_hbm.at[wid], idx_v)
        for g in range(nwave):
            cps = [
                pltpu.async_copy(emb_hbm.at[idx_v.at[g * _WAVE + i]],
                                 rows_v.at[pl.ds(i * _CH, _CH)], sem)
                for i in range(_WAVE)
            ]
            for c in cps:
                c.wait()
            pltpu.sync_copy(
                rows_v,
                out_hbm.at[pl.ds((wid * rpw + g * _WAVE) * _CH, _WAVE * _CH)])

    return k(idx3d, emb)


def kernel(x, We1, be1, We2, be2, We3, be3, Wd1, bd1, Wd2, bd2, Wd3, bd3,
           embedding):
    def conv(v, w, b, dn):
        y = lax.conv_general_dilated(v, w, (1, 1), 'VALID',
                                     dimension_numbers=dn)
        return y + b

    def deconv(v, w, b, dn):
        y = lax.conv_general_dilated(v, jnp.flip(w, (2, 3)), (1, 1),
                                     [(4, 4), (4, 4)], dimension_numbers=dn)
        return y + b

    def spad(v):
        return jnp.pad(v, ((0, 0), (4, 4), (4, 4), (0, 0)))

    h = jax.nn.selu(conv(x, We1, be1, ('NCHW', 'OIHW', 'NHWC')))
    h = jax.nn.selu(conv(h, We2, be2, ('NHWC', 'OIHW', 'NHWC')))
    z = conv(h, We3, be3, ('NHWC', 'OIHW', 'NHWC'))
    b, hh, ww, d = z.shape
    n0 = b * hh * ww
    n = -(-n0 // (_NW * _CH * _WAVE)) * (_NW * _CH * _WAVE)
    nblk = n // _M
    idx_flat = _vq_argmin(z.reshape(n0, d), embedding, nblk)
    q_flat = _sc_gather(idx_flat.reshape(_NW, n // (_NW * _CH), _CH),
                        embedding)
    idx = idx_flat[:n0].reshape(b, hh, ww)
    q = q_flat[:n0].reshape(b, hh, ww, d)
    g = jax.nn.selu(deconv(q, Wd1, bd1, ('NHWC', 'OIHW', 'NHWC')))
    g = jax.nn.selu(deconv(g, Wd2, bd2, ('NHWC', 'OIHW', 'NHWC')))
    out = deconv(g, Wd3, bd3, ('NHWC', 'OIHW', 'NHWC'))
    return out.transpose(0, 3, 1, 2), idx

# --- scband reference (transcript-rebuilt; emitter-appended) ---
"""Pipeline reference for scband-cvqvae-20289425507063 (READ-ONLY COPY).

The authoritative reference and input builder live on the scoring server;
editing this copy changes nothing except your own understanding.
"""

import jax, jax.numpy as jnp
import numpy as np


def _conv(x, w, b):
    y = jax.lax.conv_general_dilated(x, w, (1, 1), 'VALID', dimension_numbers=('NCHW', 'OIHW', 'NCHW'))
    return y + b[None, :, None, None]


def _deconv(x, w, b):
    # stride-1, padding-0 ConvTranspose2d == full-padded conv with spatially flipped kernel
    y = jax.lax.conv_general_dilated(x, jnp.flip(w, (2, 3)), (1, 1), [(4, 4), (4, 4)], dimension_numbers=('NCHW', 'OIHW', 'NCHW'))
    return y + b[None, :, None, None]


def setup_inputs(seed: int = 0) -> dict:
    key = jax.random.key(seed)
    ks = jax.random.split(key, 14)
    d = {}
    d['x'] = jax.random.normal(ks[0], (2, 3, 224, 224), dtype=jnp.float32)
    d['We1'] = jax.random.normal(ks[1], (32, 3, 5, 5), dtype=jnp.float32) * 0.08
    d['be1'] = jax.random.normal(ks[2], (32,), dtype=jnp.float32) * 0.05
    d['We2'] = jax.random.normal(ks[3], (32, 32, 5, 5), dtype=jnp.float32) * 0.03
    d['be2'] = jax.random.normal(ks[4], (32,), dtype=jnp.float32) * 0.05
    d['We3'] = jax.random.normal(ks[5], (64, 32, 5, 5), dtype=jnp.float32) * 0.03
    d['be3'] = jax.random.normal(ks[6], (64,), dtype=jnp.float32) * 0.05
    d['Wd1'] = jax.random.normal(ks[7], (32, 64, 5, 5), dtype=jnp.float32) * 0.03
    d['bd1'] = jax.random.normal(ks[8], (32,), dtype=jnp.float32) * 0.05
    d['Wd2'] = jax.random.normal(ks[9], (32, 32, 5, 5), dtype=jnp.float32) * 0.03
    d['bd2'] = jax.random.normal(ks[10], (32,), dtype=jnp.float32) * 0.05
    d['Wd3'] = jax.random.normal(ks[11], (3, 32, 5, 5), dtype=jnp.float32) * 0.03
    d['bd3'] = jax.random.normal(ks[12], (3,), dtype=jnp.float32) * 0.05
    d['embedding'] = jax.random.normal(ks[13], (1024, 64), dtype=jnp.float32) / 1000.0
    return d


def reference(x, We1, be1, We2, be2, We3, be3, Wd1, bd1, Wd2, bd2, Wd3, bd3, embedding):
    # encode
    h = jax.nn.selu(_conv(x, We1, be1))
    h = jax.nn.selu(_conv(h, We2, be2))
    z = _conv(h, We3, be3)  # [B, d, H', W']
    # quantize (straight-through); distances expanded as ||z||^2 - 2 z.e + ||e||^2 (same math as sum((e-z)^2))
    zt = jnp.transpose(z, (0, 2, 3, 1))  # [B, H, W, d]
    z2 = jnp.sum(zt ** 2, axis=-1, keepdims=True)
    e2 = jnp.sum(embedding ** 2, axis=-1)
    dist = z2 - 2.0 * jnp.einsum('bhwd,kd->bhwk', zt, embedding) + e2[None, None, None, :]
    encoding_indices = jnp.argmin(dist, axis=-1)  # [B, H, W]
    quantized = zt + jax.lax.stop_gradient(embedding[encoding_indices] - zt)
    q = jnp.transpose(quantized, (0, 3, 1, 2))  # [B, d, H', W']
    # decode
    g = jax.nn.selu(_deconv(q, Wd1, bd1))
    g = jax.nn.selu(_deconv(g, Wd2, bd2))
    out = _deconv(g, Wd3, bd3)
    return out, encoding_indices

if __name__ == "__main__":
    import jax
    _d = setup_inputs()
    print(jax.jit(kernel)(*tuple(_d.values())))

</pallas_src>

<mosaic_0001>
#map = affine_map<(d0, d1) -> (0, 0, 0)>
#map1 = affine_map<(d0, d1) -> (0, 0)>
module attributes {stable_mosaic.version = 14 : i64} {
  func.func @k(%arg0: i32, %arg1: i32, %arg2: memref<32x22x128xi32, #tpu.memory_space<hbm>>, %arg3: memref<1024x64xf32, #tpu.memory_space<hbm>>, %arg4: memref<90112x64xf32, #tpu.memory_space<hbm>>, %arg5: memref<22x128xi32, #tpu.memory_space<vmem>>, %arg6: memref<1408x64xf32, #tpu.memory_space<vmem>>, %arg7: memref<!tpu.dma_semaphore, #tpu.memory_space<semaphore_mem>>) attributes {dimension_semantics = [#tpu.dimension_semantics<core_parallel>, #tpu.dimension_semantics<subcore_parallel>], iteration_bounds = array<i64: 2, 16>, scalar_prefetch = 0 : i64, scratch_operands = 3 : i64, tpu.core_type = #tpu.core_type<sc_vector_subcore>, window_params = [{transform_indices = #map}, {transform_indices = #map1}, {transform_indices = #map1}]} {
    %mul3A = arith.constant 2 : i32
    %mul3A_0 = arith.muli %arg1, %mul3A : i32
    %add3A = arith.addi %mul3A_0, %arg0 : i32
    "tpu.region"() ({
      %run_scoped3A = tpu.sem_alloc : memref<!tpu.dma_semaphore, #tpu.memory_space<semaphore_mem>>
      %dma_start3A_451 = arith.constant 0 : i32
      %dma_start3A_452 = arith.constant 0 : i32
      %dma_start3A_453 = tpu.memref_slice %arg2[%add3A, %dma_start3A_451, %dma_start3A_452] : memref<32x22x128xi32, #tpu.memory_space<hbm>> -> memref<1x22x128xi32, #tpu.memory_space<hbm>>
      %dma_start3A_454 = tpu.memref_squeeze %dma_start3A_453 : memref<1x22x128xi32, #tpu.memory_space<hbm>> -> memref<22x128xi32, #tpu.memory_space<hbm>>
      %dma_start3A_455 = arith.constant 0 : i32
      %dma_start3A_456 = arith.constant 0 : i32
      %dma_start3A_457 = tpu.memref_slice %arg2[%add3A, %dma_start3A_455, %dma_start3A_456] : memref<32x22x128xi32, #tpu.memory_space<hbm>> -> memref<1x22x128xi32, #tpu.memory_space<hbm>>
      %dma_start3A_458 = tpu.memref_squeeze %dma_start3A_457 : memref<1x22x128xi32, #tpu.memory_space<hbm>> -> memref<22x128xi32, #tpu.memory_space<hbm>>
      tpu.enqueue_dma source(%dma_start3A_458 : memref<22x128xi32, #tpu.memory_space<hbm>>) target(%arg5 : memref<22x128xi32, #tpu.memory_space<vmem>>) target_semaphore(%run_scoped3A : memref<!tpu.dma_semaphore, #tpu.memory_space<semaphore_mem>>)
      %dma_wait3A_459 = arith.constant 0 : i32
      %dma_wait3A_460 = arith.constant 0 : i32
      %dma_wait3A_461 = tpu.memref_slice %arg2[%add3A, %dma_wait3A_459, %dma_wait3A_460] : memref<32x22x128xi32, #tpu.memory_space<hbm>> -> memref<1x22x128xi32, #tpu.memory_space<hbm>>
      %dma_wait3A_462 = tpu.memref_squeeze %dma_wait3A_461 : memref<1x22x128xi32, #tpu.memory_space<hbm>> -> memref<22x128xi32, #tpu.memory_space<hbm>>
      %dma_wait3A_463 = arith.constant 0 : i32
      %dma_wait3A_464 = arith.constant 0 : i32
      %dma_wait3A_465 = tpu.memref_slice %arg2[%add3A, %dma_wait3A_463, %dma_wait3A_464] : memref<32x22x128xi32, #tpu.memory_space<hbm>> -> memref<1x22x128xi32, #tpu.memory_space<hbm>>
      %dma_wait3A_466 = tpu.memref_squeeze %dma_wait3A_465 : memref<1x22x128xi32, #tpu.memory_space<hbm>> -> memref<22x128xi32, #tpu.memory_space<hbm>>
      tpu.wait_dma2 semaphore(%run_scoped3A : memref<!tpu.dma_semaphore, #tpu.memory_space<semaphore_mem>>) src(%dma_wait3A_466 : memref<22x128xi32, #tpu.memory_space<hbm>>) dst(%arg5 : memref<22x128xi32, #tpu.memory_space<vmem>>)
      tpu.yield
    }) : () -> ()
    %dma_start3A = arith.constant 0 : i32
    %dma_start3A_1 = arith.constant 0 : i32
    %dma_start3A_2 = arith.constant 0 : i32
    %dma_start3A_3 = tpu.memref_slice %arg6[%dma_start3A_1, %dma_start3A_2] : memref<1408x64xf32, #tpu.memory_space<vmem>> -> memref<128x64xf32, #tpu.memory_space<vmem>>
    %dma_start3A_4 = arith.constant 0 : i32
    %dma_start3A_5 = tpu.memref_slice %arg5[%dma_start3A, %dma_start3A_4] : memref<22x128xi32, #tpu.memory_space<vmem>> -> memref<1x128xi32, #tpu.memory_space<vmem>>
    %dma_start3A_6 = tpu.memref_squeeze %dma_start3A_5 : memref<1x128xi32, #tpu.memory_space<vmem>> -> memref<128xi32, #tpu.memory_space<vmem>>
    %dma_start3A_7 = arith.constant 0 : i32
    %dma_start3A_8 = arith.constant 0 : i32
    %dma_start3A_9 = tpu.memref_slice %arg3[%dma_start3A_7, %dma_start3A_8] : memref<1024x64xf32, #tpu.memory_space<hbm>> -> memref<1024x64xf32, #tpu.memory_space<hbm>>
    tpu.enqueue_indirect_dma source(%dma_start3A_9 : memref<1024x64xf32, #tpu.memory_space<hbm>>) target(%dma_start3A_3 : memref<128x64xf32, #tpu.memory_space<vmem>>) offsets(%dma_start3A_6 : memref<128xi32, #tpu.memory_space<vmem>>) semaphore(%arg7 : memref<!tpu.dma_semaphore, #tpu.memory_space<semaphore_mem>>)
    %dma_start3A_10 = arith.constant 1 : i32
    %dma_start3A_11 = arith.constant 128 : i32
    %dma_start3A_12 = arith.constant 0 : i32
    %dma_start3A_13 = tpu.memref_slice %arg6[%dma_start3A_11, %dma_start3A_12] : memref<1408x64xf32, #tpu.memory_space<vmem>> -> memref<128x64xf32, #tpu.memory_space<vmem>>
    %dma_start3A_14 = arith.constant 0 : i32
    %dma_start3A_15 = tpu.memref_slice %arg5[%dma_start3A_10, %dma_start3A_14] : memref<22x128xi32, #tpu.memory_space<vmem>> -> memref<1x128xi32, #tpu.memory_space<vmem>>
    %dma_start3A_16 = tpu.memref_squeeze %dma_start3A_15 : memref<1x128xi32, #tpu.memory_space<vmem>> -> memref<128xi32, #tpu.memory_space<vmem>>
    %dma_start3A_17 = arith.constant 0 : i32
    %dma_start3A_18 = arith.constant 0 : i32
    %dma_start3A_19 = tpu.memref_slice %arg3[%dma_start3A_17, %dma_start3A_18] : memref<1024x64xf32, #tpu.memory_space<hbm>> -> memref<1024x64xf32, #tpu.memory_space<hbm>>
    tpu.enqueue_indirect_dma source(%dma_start3A_19 : memref<1024x64xf32, #tpu.memory_space<hbm>>) target(%dma_start3A_13 : memref<128x64xf32, #tpu.memory_space<vmem>>) offsets(%dma_start3A_16 : memref<128xi32, #tpu.memory_space<vmem>>) semaphore(%arg7 : memref<!tpu.dma_semaphore, #tpu.memory_space<semaphore_mem>>)
    %dma_start3A_20 = arith.constant 2 : i32
    %dma_start3A_21 = arith.constant 256 : i32
    %dma_start3A_22 = arith.constant 0 : i32
    %dma_start3A_23 = tpu.memref_slice %arg6[%dma_start3A_21, %dma_start3A_22] : memref<1408x64xf32, #tpu.memory_space<vmem>> -> memref<128x64xf32, #tpu.memory_space<vmem>>
    %dma_start3A_24 = arith.constant 0 : i32
    %dma_start3A_25 = tpu.memref_slice %arg5[%dma_start3A_20, %dma_start3A_24] : memref<22x128xi32, #tpu.memory_space<vmem>> -> memref<1x128xi32, #tpu.memory_space<vmem>>
    %dma_start3A_26 = tpu.memref_squeeze %dma_start3A_25 : memref<1x128xi32, #tpu.memory_space<vmem>> -> memref<128xi32, #tpu.memory_space<vmem>>
    %dma_start3A_27 = arith.constant 0 : i32
    %dma_start3A_28 = arith.constant 0 : i32
    %dma_start3A_29 = tpu.memref_slice %arg3[%dma_start3A_27, %dma_start3A_28] : memref<1024x64xf32, #tpu.memory_space<hbm>> -> memref<1024x64xf32, #tpu.memory_space<hbm>>
    tpu.enqueue_indirect_dma source(%dma_start3A_29 : memref<1024x64xf32, #tpu.memory_space<hbm>>) target(%dma_start3A_23 : memref<128x64xf32, #tpu.memory_space<vmem>>) offsets(%dma_start3A_26 : memref<128xi32, #tpu.memory_space<vmem>>) semaphore(%arg7 : memref<!tpu.dma_semaphore, #tpu.memory_space<semaphore_mem>>)
    %dma_start3A_30 = arith.constant 3 : i32
    %dma_start3A_31 = arith.constant 384 : i32
    %dma_start3A_32 = arith.constant 0 : i32
    %dma_start3A_33 = tpu.memref_slice %arg6[%dma_start3A_31, %dma_start3A_32] : memref<1408x64xf32, #tpu.memory_space<vmem>> -> memref<128x64xf32, #tpu.memory_space<vmem>>
    %dma_start3A_34 = arith.constant 0 : i32
    %dma_start3A_35 = tpu.memref_slice %arg5[%dma_start3A_30, %dma_start3A_34] : memref<22x128xi32, #tpu.memory_space<vmem>> -> memref<1x128xi32, #tpu.memory_space<vmem>>
    %dma_start3A_36 = tpu.memref_squeeze %dma_start3A_35 : memref<1x128xi32, #tpu.memory_space<vmem>> -> memref<128xi32, #tpu.memory_space<vmem>>
    %dma_start3A_37 = arith.constant 0 : i32
    %dma_start3A_38 = arith.constant 0 : i32
    %dma_start3A_39 = tpu.memref_slice %arg3[%dma_start3A_37, %dma_start3A_38] : memref<1024x64xf32, #tpu.memory_space<hbm>> -> memref<1024x64xf32, #tpu.memory_space<hbm>>
    tpu.enqueue_indirect_dma source(%dma_start3A_39 : memref<1024x64xf32, #tpu.memory_space<hbm>>) target(%dma_start3A_33 : memref<128x64xf32, #tpu.memory_space<vmem>>) offsets(%dma_start3A_36 : memref<128xi32, #tpu.memory_space<vmem>>) semaphore(%arg7 : memref<!tpu.dma_semaphore, #tpu.memory_space<semaphore_mem>>)
    %dma_start3A_40 = arith.constant 4 : i32
    %dma_start3A_41 = arith.constant 512 : i32
    %dma_start3A_42 = arith.constant 0 : i32
    %dma_start3A_43 = tpu.memref_slice %arg6[%dma_start3A_41, %dma_start3A_42] : memref<1408x64xf32, #tpu.memory_space<vmem>> -> memref<128x64xf32, #tpu.memory_space<vmem>>
    %dma_start3A_44 = arith.constant 0 : i32
    %dma_start3A_45 = tpu.memref_slice %arg5[%dma_start3A_40, %dma_start3A_44] : memref<22x128xi32, #tpu.memory_space<vmem>> -> memref<1x128xi32, #tpu.memory_space<vmem>>
    %dma_start3A_46 = tpu.memref_squeeze %dma_start3A_45 : memref<1x128xi32, #tpu.memory_space<vmem>> -> memref<128xi32, #tpu.memory_space<vmem>>
    %dma_start3A_47 = arith.constant 0 : i32
    %dma_start3A_48 = arith.constant 0 : i32
    %dma_start3A_49 = tpu.memref_slice %arg3[%dma_start3A_47, %dma_start3A_48] : memref<1024x64xf32, #tpu.memory_space<hbm>> -> memref<1024x64xf32, #tpu.memory_space<hbm>>
    tpu.enqueue_indirect_dma source(%dma_start3A_49 : memref<1024x64xf32, #tpu.memory_space<hbm>>) target(%dma_start3A_43 : memref<128x64xf32, #tpu.memory_space<vmem>>) offsets(%dma_start3A_46 : memref<128xi32, #tpu.memory_space<vmem>>) semaphore(%arg7 : memref<!tpu.dma_semaphore, #tpu.memory_space<semaphore_mem>>)
    %dma_start3A_50 = arith.constant 5 : i32
    %dma_start3A_51 = arith.constant 640 : i32
    %dma_start3A_52 = arith.constant 0 : i32
    %dma_start3A_53 = tpu.memref_slice %arg6[%dma_start3A_51, %dma_start3A_52] : memref<1408x64xf32, #tpu.memory_space<vmem>> -> memref<128x64xf32, #tpu.memory_space<vmem>>
    %dma_start3A_54 = arith.constant 0 : i32
    %dma_start3A_55 = tpu.memref_slice %arg5[%dma_start3A_50, %dma_start3A_54] : memref<22x128xi32, #tpu.memory_space<vmem>> -> memref<1x128xi32, #tpu.memory_space<vmem>>
    %dma_start3A_56 = tpu.memref_squeeze %dma_start3A_55 : memref<1x128xi32, #tpu.memory_space<vmem>> -> memref<128xi32, #tpu.memory_space<vmem>>
    %dma_start3A_57 = arith.constant 0 : i32
    %dma_start3A_58 = arith.constant 0 : i32
    %dma_start3A_59 = tpu.memref_slice %arg3[%dma_start3A_57, %dma_start3A_58] : memref<1024x64xf32, #tpu.memory_space<hbm>> -> memref<1024x64xf32, #tpu.memory_space<hbm>>
    tpu.enqueue_indirect_dma source(%dma_start3A_59 : memref<1024x64xf32, #tpu.memory_space<hbm>>) target(%dma_start3A_53 : memref<128x64xf32, #tpu.memory_space<vmem>>) offsets(%dma_start3A_56 : memref<128xi32, #tpu.memory_space<vmem>>) semaphore(%arg7 : memref<!tpu.dma_semaphore, #tpu.memory_space<semaphore_mem>>)
    %dma_start3A_60 = arith.constant 6 : i32
    %dma_start3A_61 = arith.constant 768 : i32
    %dma_start3A_62 = arith.constant 0 : i32
    %dma_start3A_63 = tpu.memref_slice %arg6[%dma_start3A_61, %dma_start3A_62] : memref<1408x64xf32, #tpu.memory_space<vmem>> -> memref<128x64xf32, #tpu.memory_space<vmem>>
    %dma_start3A_64 = arith.constant 0 : i32
    %dma_start3A_65 = tpu.memref_slice %arg5[%dma_start3A_60, %dma_start3A_64] : memref<22x128xi32, #tpu.memory_space<vmem>> -> memref<1x128xi32, #tpu.memory_space<vmem>>
    %dma_start3A_66 = tpu.memref_squeeze %dma_start3A_65 : memref<1x128xi32, #tpu.memory_space<vmem>> -> memref<128xi32, #tpu.memory_space<vmem>>
    %dma_start3A_67 = arith.constant 0 : i32
    %dma_start3A_68 = arith.constant 0 : i32
    %dma_start3A_69 = tpu.memref_slice %arg3[%dma_start3A_67, %dma_start3A_68] : memref<1024x64xf32, #tpu.memory_space<hbm>> -> memref<1024x64xf32, #tpu.memory_space<hbm>>
    tpu.enqueue_indirect_dma source(%dma_start3A_69 : memref<1024x64xf32, #tpu.memory_space<hbm>>) target(%dma_start3A_63 : memref<128x64xf32, #tpu.memory_space<vmem>>) offsets(%dma_start3A_66 : memref<128xi32, #tpu.memory_space<vmem>>) semaphore(%arg7 : memref<!tpu.dma_semaphore, #tpu.memory_space<semaphore_mem>>)
    %dma_start3A_70 = arith.constant 7 : i32
    %dma_start3A_71 = arith.constant 896 : i32
    %dma_start3A_72 = arith.constant 0 : i32
    %dma_start3A_73 = tpu.memref_slice %arg6[%dma_start3A_71, %dma_start3A_72] : memref<1408x64xf32, #tpu.memory_space<vmem>> -> memref<128x64xf32, #tpu.memory_space<vmem>>
    %dma_start3A_74 = arith.constant 0 : i32
    %dma_start3A_75 = tpu.memref_slice %arg5[%dma_start3A_70, %dma_start3A_74] : memref<22x128xi32, #tpu.memory_space<vmem>> -> memref<1x128xi32, #tpu.memory_space<vmem>>
    %dma_start3A_76 = tpu.memref_squeeze %dma_start3A_75 : memref<1x128xi32, #tpu.memory_space<vmem>> -> memref<128xi32, #tpu.memory_space<vmem>>
    %dma_start3A_77 = arith.constant 0 : i32
    %dma_start3A_78 = arith.constant 0 : i32
    %dma_start3A_79 = tpu.memref_slice %arg3[%dma_start3A_77, %dma_start3A_78] : memref<1024x64xf32, #tpu.memory_space<hbm>> -> memref<1024x64xf32, #tpu.memory_space<hbm>>
    tpu.enqueue_indirect_dma source(%dma_start3A_79 : memref<1024x64xf32, #tpu.memory_space<hbm>>) target(%dma_start3A_73 : memref<128x64xf32, #tpu.memory_space<vmem>>) offsets(%dma_start3A_76 : memref<128xi32, #tpu.memory_space<vmem>>) semaphore(%arg7 : memref<!tpu.dma_semaphore, #tpu.memory_space<semaphore_mem>>)
    %dma_start3A_80 = arith.constant 8 : i32
    %dma_start3A_81 = arith.constant 1024 : i32
    %dma_start3A_82 = arith.constant 0 : i32
    %dma_start3A_83 = tpu.memref_slice %arg6[%dma_start3A_81, %dma_start3A_82] : memref<1408x64xf32, #tpu.memory_space<vmem>> -> memref<128x64xf32, #tpu.memory_space<vmem>>
    %dma_start3A_84 = arith.constant 0 : i32
    %dma_start3A_85 = tpu.memref_slice %arg5[%dma_start3A_80, %dma_start3A_84] : memref<22x128xi32, #tpu.memory_space<vmem>> -> memref<1x128xi32, #tpu.memory_space<vmem>>
    %dma_start3A_86 = tpu.memref_squeeze %dma_start3A_85 : memref<1x128xi32, #tpu.memory_space<vmem>> -> memref<128xi32, #tpu.memory_space<vmem>>
    %dma_start3A_87 = arith.constant 0 : i32
    %dma_start3A_88 = arith.constant 0 : i32
    %dma_start3A_89 = tpu.memref_slice %arg3[%dma_start3A_87, %dma_start3A_88] : memref<1024x64xf32, #tpu.memory_space<hbm>> -> memref<1024x64xf32, #tpu.memory_space<hbm>>
    tpu.enqueue_indirect_dma source(%dma_start3A_89 : memref<1024x64xf32, #tpu.memory_space<hbm>>) target(%dma_start3A_83 : memref<128x64xf32, #tpu.memory_space<vmem>>) offsets(%dma_start3A_86 : memref<128xi32, #tpu.memory_space<vmem>>) semaphore(%arg7 : memref<!tpu.dma_semaphore, #tpu.memory_space<semaphore_mem>>)
    %dma_start3A_90 = arith.constant 9 : i32
    %dma_start3A_91 = arith.constant 1152 : i32
    %dma_start3A_92 = arith.constant 0 : i32
    %dma_start3A_93 = tpu.memref_slice %arg6[%dma_start3A_91, %dma_start3A_92] : memref<1408x64xf32, #tpu.memory_space<vmem>> -> memref<128x64xf32, #tpu.memory_space<vmem>>
    %dma_start3A_94 = arith.constant 0 : i32
    %dma_start3A_95 = tpu.memref_slice %arg5[%dma_start3A_90, %dma_start3A_94] : memref<22x128xi32, #tpu.memory_space<vmem>> -> memref<1x128xi32, #tpu.memory_space<vmem>>
    %dma_start3A_96 = tpu.memref_squeeze %dma_start3A_95 : memref<1x128xi32, #tpu.memory_space<vmem>> -> memref<128xi32, #tpu.memory_space<vmem>>
    %dma_start3A_97 = arith.constant 0 : i32
    %dma_start3A_98 = arith.constant 0 : i32
    %dma_start3A_99 = tpu.memref_slice %arg3[%dma_start3A_97, %dma_start3A_98] : memref<1024x64xf32, #tpu.memory_space<hbm>> -> memref<1024x64xf32, #tpu.memory_space<hbm>>
    tpu.enqueue_indirect_dma source(%dma_start3A_99 : memref<1024x64xf32, #tpu.memory_space<hbm>>) target(%dma_start3A_93 : memref<128x64xf32, #tpu.memory_space<vmem>>) offsets(%dma_start3A_96 : memref<128xi32, #tpu.memory_space<vmem>>) semaphore(%arg7 : memref<!tpu.dma_semaphore, #tpu.memory_space<semaphore_mem>>)
    %dma_start3A_100 = arith.constant 10 : i32
    %dma_start3A_101 = arith.constant 1280 : i32
    %dma_start3A_102 = arith.constant 0 : i32
    %dma_start3A_103 = tpu.memref_slice %arg6[%dma_start3A_101, %dma_start3A_102] : memref<1408x64xf32, #tpu.memory_space<vmem>> -> memref<128x64xf32, #tpu.memory_space<vmem>>
    %dma_start3A_104 = arith.constant 0 : i32
    %dma_start3A_105 = tpu.memref_slice %arg5[%dma_start3A_100, %dma_start3A_104] : memref<22x128xi32, #tpu.memory_space<vmem>> -> memref<1x128xi32, #tpu.memory_space<vmem>>
    %dma_start3A_106 = tpu.memref_squeeze %dma_start3A_105 : memref<1x128xi32, #tpu.memory_space<vmem>> -> memref<128xi32, #tpu.memory_space<vmem>>
    %dma_start3A_107 = arith.constant 0 : i32
    %dma_start3A_108 = arith.constant 0 : i32
    %dma_start3A_109 = tpu.memref_slice %arg3[%dma_start3A_107, %dma_start3A_108] : memref<1024x64xf32, #tpu.memory_space<hbm>> -> memref<1024x64xf32, #tpu.memory_space<hbm>>
    tpu.enqueue_indirect_dma source(%dma_start3A_109 : memref<1024x64xf32, #tpu.memory_space<hbm>>) target(%dma_start3A_103 : memref<128x64xf32, #tpu.memory_space<vmem>>) offsets(%dma_start3A_106 : memref<128xi32, #tpu.memory_space<vmem>>) semaphore(%arg7 : memref<!tpu.dma_semaphore, #tpu.memory_space<semaphore_mem>>)
    %dma_wait3A = arith.constant 0 : i32
    %dma_wait3A_110 = arith.constant 0 : i32
    %dma_wait3A_111 = arith.constant 0 : i32
    %dma_wait3A_112 = tpu.memref_slice %arg6[%dma_wait3A_110, %dma_wait3A_111] : memref<1408x64xf32, #tpu.memory_space<vmem>> -> memref<128x64xf32, #tpu.memory_space<vmem>>
    %dma_wait3A_113 = arith.constant 0 : i32
    %dma_wait3A_114 = tpu.memref_slice %arg5[%dma_wait3A, %dma_wait3A_113] : memref<22x128xi32, #tpu.memory_space<vmem>> -> memref<1x128xi32, #tpu.memory_space<vmem>>
    %dma_wait3A_115 = tpu.memref_squeeze %dma_wait3A_114 : memref<1x128xi32, #tpu.memory_space<vmem>> -> memref<128xi32, #tpu.memory_space<vmem>>
    %dma_wait3A_116 = arith.constant 0 : i32
    %dma_wait3A_117 = arith.constant 0 : i32
    %dma_wait3A_118 = tpu.memref_slice %arg3[%dma_wait3A_116, %dma_wait3A_117] : memref<1024x64xf32, #tpu.memory_space<hbm>> -> memref<1024x64xf32, #tpu.memory_space<hbm>>
    tpu.wait_indirect_dma semaphore(%arg7 : memref<!tpu.dma_semaphore, #tpu.memory_space<semaphore_mem>>) src(%dma_wait3A_118 : memref<1024x64xf32, #tpu.memory_space<hbm>>) dst(%dma_wait3A_112 : memref<128x64xf32, #tpu.memory_space<vmem>>)
    %dma_wait3A_119 = arith.constant 1 : i32
    %dma_wait3A_120 = arith.constant 128 : i32
    %dma_wait3A_121 = arith.constant 0 : i32
    %dma_wait3A_122 = tpu.memref_slice %arg6[%dma_wait3A_120, %dma_wait3A_121] : memref<1408x64xf32, #tpu.memory_space<vmem>> -> memref<128x64xf32, #tpu.memory_space<vmem>>
    %dma_wait3A_123 = arith.constant 0 : i32
    %dma_wait3A_124 = tpu.memref_slice %arg5[%dma_wait3A_119, %dma_wait3A_123] : memref<22x128xi32, #tpu.memory_space<vmem>> -> memref<1x128xi32, #tpu.memory_space<vmem>>
    %dma_wait3A_125 = tpu.memref_squeeze %dma_wait3A_124 : memref<1x128xi32, #tpu.memory_space<vmem>> -> memref<128xi32, #tpu.memory_space<vmem>>
    %dma_wait3A_126 = arith.constant 0 : i32
    %dma_wait3A_127 = arith.constant 0 : i32
    %dma_wait3A_128 = tpu.memref_slice %arg3[%dma_wait3A_126, %dma_wait3A_127] : memref<1024x64xf32, #tpu.memory_space<hbm>> -> memref<1024x64xf32, #tpu.memory_space<hbm>>
    tpu.wait_indirect_dma semaphore(%arg7 : memref<!tpu.dma_semaphore, #tpu.memory_space<semaphore_mem>>) src(%dma_wait3A_128 : memref<1024x64xf32, #tpu.memory_space<hbm>>) dst(%dma_wait3A_122 : memref<128x64xf32, #tpu.memory_space<vmem>>)
    %dma_wait3A_129 = arith.constant 2 : i32
    %dma_wait3A_130 = arith.constant 256 : i32
    %dma_wait3A_131 = arith.constant 0 : i32
    %dma_wait3A_132 = tpu.memref_slice %arg6[%dma_wait3A_130, %dma_wait3A_131] : memref<1408x64xf32, #tpu.memory_space<vmem>> -> memref<128x64xf32, #tpu.memory_space<vmem>>
    %dma_wait3A_133 = arith.constant 0 : i32
    %dma_wait3A_134 = tpu.memref_slice %arg5[%dma_wait3A_129, %dma_wait3A_133] : memref<22x128xi32, #tpu.memory_space<vmem>> -> memref<1x128xi32, #tpu.memory_space<vmem>>
    %dma_wait3A_135 = tpu.memref_squeeze %dma_wait3A_134 : memref<1x128xi32, #tpu.memory_space<vmem>> -> memref<128xi32, #tpu.memory_space<vmem>>
    %dma_wait3A_136 = arith.constant 0 : i32
    %dma_wait3A_137 = arith.constant 0 : i32
    %dma_wait3A_138 = tpu.memref_slice %arg3[%dma_wait3A_136, %dma_wait3A_137] : memref<1024x64xf32, #tpu.memory_space<hbm>> -> memref<1024x64xf32, #tpu.memory_space<hbm>>
    tpu.wait_indirect_dma semaphore(%arg7 : memref<!tpu.dma_semaphore, #tpu.memory_space<semaphore_mem>>) src(%dma_wait3A_138 : memref<1024x64xf32, #tpu.memory_space<hbm>>) dst(%dma_wait3A_132 : memref<128x64xf32, #tpu.memory_space<vmem>>)
    %dma_wait3A_139 = arith.constant 3 : i32
    %dma_wait3A_140 = arith.constant 384 : i32
    %dma_wait3A_141 = arith.constant 0 : i32
    %dma_wait3A_142 = tpu.memref_slice %arg6[%dma_wait3A_140, %dma_wait3A_141] : memref<1408x64xf32, #tpu.memory_space<vmem>> -> memref<128x64xf32, #tpu.memory_space<vmem>>
    %dma_wait3A_143 = arith.constant 0 : i32
    %dma_wait3A_144 = tpu.memref_slice %arg5[%dma_wait3A_139, %dma_wait3A_143] : memref<22x128xi32, #tpu.memory_space<vmem>> -> memref<1x128xi32, #tpu.memory_space<vmem>>
    %dma_wait3A_145 = tpu.memref_squeeze %dma_wait3A_144 : memref<1x128xi32, #tpu.memory_space<vmem>> -> memref<128xi32, #tpu.memory_space<vmem>>
    %dma_wait3A_146 = arith.constant 0 : i32
    %dma_wait3A_147 = arith.constant 0 : i32
    %dma_wait3A_148 = tpu.memref_slice %arg3[%dma_wait3A_146, %dma_wait3A_147] : memref<1024x64xf32, #tpu.memory_space<hbm>> -> memref<1024x64xf32, #tpu.memory_space<hbm>>
    tpu.wait_indirect_dma semaphore(%arg7 : memref<!tpu.dma_semaphore, #tpu.memory_space<semaphore_mem>>) src(%dma_wait3A_148 : memref<1024x64xf32, #tpu.memory_space<hbm>>) dst(%dma_wait3A_142 : memref<128x64xf32, #tpu.memory_space<vmem>>)
    %dma_wait3A_149 = arith.constant 4 : i32
    %dma_wait3A_150 = arith.constant 512 : i32
    %dma_wait3A_151 = arith.constant 0 : i32
    %dma_wait3A_152 = tpu.memref_slice %arg6[%dma_wait3A_150, %dma_wait3A_151] : memref<1408x64xf32, #tpu.memory_space<vmem>> -> memref<128x64xf32, #tpu.memory_space<vmem>>
    %dma_wait3A_153 = arith.constant 0 : i32
    %dma_wait3A_154 = tpu.memref_slice %arg5[%dma_wait3A_149, %dma_wait3A_153] : memref<22x128xi32, #tpu.memory_space<vmem>> -> memref<1x128xi32, #tpu.memory_space<vmem>>
    %dma_wait3A_155 = tpu.memref_squeeze %dma_wait3A_154 : memref<1x128xi32, #tpu.memory_space<vmem>> -> memref<128xi32, #tpu.memory_space<vmem>>
    %dma_wait3A_156 = arith.constant 0 : i32
    %dma_wait3A_157 = arith.constant 0 : i32
    %dma_wait3A_158 = tpu.memref_slice %arg3[%dma_wait3A_156, %dma_wait3A_157] : memref<1024x64xf32, #tpu.memory_space<hbm>> -> memref<1024x64xf32, #tpu.memory_space<hbm>>
    tpu.wait_indirect_dma semaphore(%arg7 : memref<!tpu.dma_semaphore, #tpu.memory_space<semaphore_mem>>) src(%dma_wait3A_158 : memref<1024x64xf32, #tpu.memory_space<hbm>>) dst(%dma_wait3A_152 : memref<128x64xf32, #tpu.memory_space<vmem>>)
    %dma_wait3A_159 = arith.constant 5 : i32
    %dma_wait3A_160 = arith.constant 640 : i32
    %dma_wait3A_161 = arith.constant 0 : i32
    %dma_wait3A_162 = tpu.memref_slice %arg6[%dma_wait3A_160, %dma_wait3A_161] : memref<1408x64xf32, #tpu.memory_space<vmem>> -> memref<128x64xf32, #tpu.memory_space<vmem>>
    %dma_wait3A_163 = arith.constant 0 : i32
    %dma_wait3A_164 = tpu.memref_slice %arg5[%dma_wait3A_159, %dma_wait3A_163] : memref<22x128xi32, #tpu.memory_space<vmem>> -> memref<1x128xi32, #tpu.memory_space<vmem>>
    %dma_wait3A_165 = tpu.memref_squeeze %dma_wait3A_164 : memref<1x128xi32, #tpu.memory_space<vmem>> -> memref<128xi32, #tpu.memory_space<vmem>>
    %dma_wait3A_166 = arith.constant 0 : i32
    %dma_wait3A_167 = arith.constant 0 : i32
    %dma_wait3A_168 = tpu.memref_slice %arg3[%dma_wait3A_166, %dma_wait3A_167] : memref<1024x64xf32, #tpu.memory_space<hbm>> -> memref<1024x64xf32, #tpu.memory_space<hbm>>
    tpu.wait_indirect_dma semaphore(%arg7 : memref<!tpu.dma_semaphore, #tpu.memory_space<semaphore_mem>>) src(%dma_wait3A_168 : memref<1024x64xf32, #tpu.memory_space<hbm>>) dst(%dma_wait3A_162 : memref<128x64xf32, #tpu.memory_space<vmem>>)
    %dma_wait3A_169 = arith.constant 6 : i32
    %dma_wait3A_170 = arith.constant 768 : i32
    %dma_wait3A_171 = arith.constant 0 : i32
    %dma_wait3A_172 = tpu.memref_slice %arg6[%dma_wait3A_170, %dma_wait3A_171] : memref<1408x64xf32, #tpu.memory_space<vmem>> -> memref<128x64xf32, #tpu.memory_space<vmem>>
    %dma_wait3A_173 = arith.constant 0 : i32
    %dma_wait3A_174 = tpu.memref_slice %arg5[%dma_wait3A_169, %dma_wait3A_173] : memref<22x128xi32, #tpu.memory_space<vmem>> -> memref<1x128xi32, #tpu.memory_space<vmem>>
    %dma_wait3A_175 = tpu.memref_squeeze %dma_wait3A_174 : memref<1x128xi32, #tpu.memory_space<vmem>> -> memref<128xi32, #tpu.memory_space<vmem>>
    %dma_wait3A_176 = arith.constant 0 : i32
    %dma_wait3A_177 = arith.constant 0 : i32
    %dma_wait3A_178 = tpu.memref_slice %arg3[%dma_wait3A_176, %dma_wait3A_177] : memref<1024x64xf32, #tpu.memory_space<hbm>> -> memref<1024x64xf32, #tpu.memory_space<hbm>>
    tpu.wait_indirect_dma semaphore(%arg7 : memref<!tpu.dma_semaphore, #tpu.memory_space<semaphore_mem>>) src(%dma_wait3A_178 : memref<1024x64xf32, #tpu.memory_space<hbm>>) dst(%dma_wait3A_172 : memref<128x64xf32, #tpu.memory_space<vmem>>)
    %dma_wait3A_179 = arith.constant 7 : i32
    %dma_wait3A_180 = arith.constant 896 : i32
    %dma_wait3A_181 = arith.constant 0 : i32
    %dma_wait3A_182 = tpu.memref_slice %arg6[%dma_wait3A_180, %dma_wait3A_181] : memref<1408x64xf32, #tpu.memory_space<vmem>> -> memref<128x64xf32, #tpu.memory_space<vmem>>
    %dma_wait3A_183 = arith.constant 0 : i32
    %dma_wait3A_184 = tpu.memref_slice %arg5[%dma_wait3A_179, %dma_wait3A_183] : memref<22x128xi32, #tpu.memory_space<vmem>> -> memref<1x128xi32, #tpu.memory_space<vmem>>
    %dma_wait3A_185 = tpu.memref_squeeze %dma_wait3A_184 : memref<1x128xi32, #tpu.memory_space<vmem>> -> memref<128xi32, #tpu.memory_space<vmem>>
    %dma_wait3A_186 = arith.constant 0 : i32
    %dma_wait3A_187 = arith.constant 0 : i32
    %dma_wait3A_188 = tpu.memref_slice %arg3[%dma_wait3A_186, %dma_wait3A_187] : memref<1024x64xf32, #tpu.memory_space<hbm>> -> memref<1024x64xf32, #tpu.memory_space<hbm>>
    tpu.wait_indirect_dma semaphore(%arg7 : memref<!tpu.dma_semaphore, #tpu.memory_space<semaphore_mem>>) src(%dma_wait3A_188 : memref<1024x64xf32, #tpu.memory_space<hbm>>) dst(%dma_wait3A_182 : memref<128x64xf32, #tpu.memory_space<vmem>>)
    %dma_wait3A_189 = arith.constant 8 : i32
    %dma_wait3A_190 = arith.constant 1024 : i32
    %dma_wait3A_191 = arith.constant 0 : i32
    %dma_wait3A_192 = tpu.memref_slice %arg6[%dma_wait3A_190, %dma_wait3A_191] : memref<1408x64xf32, #tpu.memory_space<vmem>> -> memref<128x64xf32, #tpu.memory_space<vmem>>
    %dma_wait3A_193 = arith.constant 0 : i32
    %dma_wait3A_194 = tpu.memref_slice %arg5[%dma_wait3A_189, %dma_wait3A_193] : memref<22x128xi32, #tpu.memory_space<vmem>> -> memref<1x128xi32, #tpu.memory_space<vmem>>
    %dma_wait3A_195 = tpu.memref_squeeze %dma_wait3A_194 : memref<1x128xi32, #tpu.memory_space<vmem>> -> memref<128xi32, #tpu.memory_space<vmem>>
    %dma_wait3A_196 = arith.constant 0 : i32
    %dma_wait3A_197 = arith.constant 0 : i32
    %dma_wait3A_198 = tpu.memref_slice %arg3[%dma_wait3A_196, %dma_wait3A_197] : memref<1024x64xf32, #tpu.memory_space<hbm>> -> memref<1024x64xf32, #tpu.memory_space<hbm>>
    tpu.wait_indirect_dma semaphore(%arg7 : memref<!tpu.dma_semaphore, #tpu.memory_space<semaphore_mem>>) src(%dma_wait3A_198 : memref<1024x64xf32, #tpu.memory_space<hbm>>) dst(%dma_wait3A_192 : memref<128x64xf32, #tpu.memory_space<vmem>>)
    %dma_wait3A_199 = arith.constant 9 : i32
    %dma_wait3A_200 = arith.constant 1152 : i32
    %dma_wait3A_201 = arith.constant 0 : i32
    %dma_wait3A_202 = tpu.memref_slice %arg6[%dma_wait3A_200, %dma_wait3A_201] : memref<1408x64xf32, #tpu.memory_space<vmem>> -> memref<128x64xf32, #tpu.memory_space<vmem>>
    %dma_wait3A_203 = arith.constant 0 : i32
    %dma_wait3A_204 = tpu.memref_slice %arg5[%dma_wait3A_199, %dma_wait3A_203] : memref<22x128xi32, #tpu.memory_space<vmem>> -> memref<1x128xi32, #tpu.memory_space<vmem>>
    %dma_wait3A_205 = tpu.memref_squeeze %dma_wait3A_204 : memref<1x128xi32, #tpu.memory_space<vmem>> -> memref<128xi32, #tpu.memory_space<vmem>>
    %dma_wait3A_206 = arith.constant 0 : i32
    %dma_wait3A_207 = arith.constant 0 : i32
    %dma_wait3A_208 = tpu.memref_slice %arg3[%dma_wait3A_206, %dma_wait3A_207] : memref<1024x64xf32, #tpu.memory_space<hbm>> -> memref<1024x64xf32, #tpu.memory_space<hbm>>
    tpu.wait_indirect_dma semaphore(%arg7 : memref<!tpu.dma_semaphore, #tpu.memory_space<semaphore_mem>>) src(%dma_wait3A_208 : memref<1024x64xf32, #tpu.memory_space<hbm>>) dst(%dma_wait3A_202 : memref<128x64xf32, #tpu.memory_space<vmem>>)
    %dma_wait3A_209 = arith.constant 10 : i32
    %dma_wait3A_210 = arith.constant 1280 : i32
    %dma_wait3A_211 = arith.constant 0 : i32
    %dma_wait3A_212 = tpu.memref_slice %arg6[%dma_wait3A_210, %dma_wait3A_211] : memref<1408x64xf32, #tpu.memory_space<vmem>> -> memref<128x64xf32, #tpu.memory_space<vmem>>
    %dma_wait3A_213 = arith.constant 0 : i32
    %dma_wait3A_214 = tpu.memref_slice %arg5[%dma_wait3A_209, %dma_wait3A_213] : memref<22x128xi32, #tpu.memory_space<vmem>> -> memref<1x128xi32, #tpu.memory_space<vmem>>
    %dma_wait3A_215 = tpu.memref_squeeze %dma_wait3A_214 : memref<1x128xi32, #tpu.memory_space<vmem>> -> memref<128xi32, #tpu.memory_space<vmem>>
    %dma_wait3A_216 = arith.constant 0 : i32
    %dma_wait3A_217 = arith.constant 0 : i32
    %dma_wait3A_218 = tpu.memref_slice %arg3[%dma_wait3A_216, %dma_wait3A_217] : memref<1024x64xf32, #tpu.memory_space<hbm>> -> memref<1024x64xf32, #tpu.memory_space<hbm>>
    tpu.wait_indirect_dma semaphore(%arg7 : memref<!tpu.dma_semaphore, #tpu.memory_space<semaphore_mem>>) src(%dma_wait3A_218 : memref<1024x64xf32, #tpu.memory_space<hbm>>) dst(%dma_wait3A_212 : memref<128x64xf32, #tpu.memory_space<vmem>>)
    %mul3A_219 = arith.constant 22 : i32
    %mul3A_220 = arith.muli %add3A, %mul3A_219 : i32
    %add3A_221 = arith.constant 0 : i32
    %add3A_222 = arith.addi %mul3A_220, %add3A_221 : i32
    %mul3A_223 = arith.constant 128 : i32
    %mul3A_224 = arith.muli %add3A_222, %mul3A_223 : i32
    "tpu.region"() ({
      %run_scoped3A = tpu.sem_alloc : memref<!tpu.dma_semaphore, #tpu.memory_space<semaphore_mem>>
      %dma_start3A_451 = arith.constant 0 : i32
      %dma_start3A_452 = tpu.memref_slice %arg4[%mul3A_224, %dma_start3A_451] : memref<90112x64xf32, #tpu.memory_space<hbm>> -> memref<1408x64xf32, #tpu.memory_space<hbm>>
      %dma_start3A_453 = arith.constant 0 : i32
      %dma_start3A_454 = tpu.memref_slice %arg4[%mul3A_224, %dma_start3A_453] : memref<90112x64xf32, #tpu.memory_space<hbm>> -> memref<1408x64xf32, #tpu.memory_space<hbm>>
      tpu.enqueue_dma source(%arg6 : memref<1408x64xf32, #tpu.memory_space<vmem>>) target(%dma_start3A_454 : memref<1408x64xf32, #tpu.memory_space<hbm>>) target_semaphore(%run_scoped3A : memref<!tpu.dma_semaphore, #tpu.memory_space<semaphore_mem>>)
      %dma_wait3A_455 = arith.constant 0 : i32
      %dma_wait3A_456 = tpu.memref_slice %arg4[%mul3A_224, %dma_wait3A_455] : memref<90112x64xf32, #tpu.memory_space<hbm>> -> memref<1408x64xf32, #tpu.memory_space<hbm>>
      %dma_wait3A_457 = arith.constant 0 : i32
      %dma_wait3A_458 = tpu.memref_slice %arg4[%mul3A_224, %dma_wait3A_457] : memref<90112x64xf32, #tpu.memory_space<hbm>> -> memref<1408x64xf32, #tpu.memory_space<hbm>>
      tpu.wait_dma2 semaphore(%run_scoped3A : memref<!tpu.dma_semaphore, #tpu.memory_space<semaphore_mem>>) src(%arg6 : memref<1408x64xf32, #tpu.memory_space<vmem>>) dst(%dma_wait3A_458 : memref<1408x64xf32, #tpu.memory_space<hbm>>)
      tpu.yield
    }) : () -> ()
    %dma_start3A_225 = arith.constant 11 : i32
    %dma_start3A_226 = arith.constant 0 : i32
    %dma_start3A_227 = arith.constant 0 : i32
    %dma_start3A_228 = tpu.memref_slice %arg6[%dma_start3A_226, %dma_start3A_227] : memref<1408x64xf32, #tpu.memory_space<vmem>> -> memref<128x64xf32, #tpu.memory_space<vmem>>
    %dma_start3A_229 = arith.constant 0 : i32
    %dma_start3A_230 = tpu.memref_slice %arg5[%dma_start3A_225, %dma_start3A_229] : memref<22x128xi32, #tpu.memory_space<vmem>> -> memref<1x128xi32, #tpu.memory_space<vmem>>
    %dma_start3A_231 = tpu.memref_squeeze %dma_start3A_230 : memref<1x128xi32, #tpu.memory_space<vmem>> -> memref<128xi32, #tpu.memory_space<vmem>>
    %dma_start3A_232 = arith.constant 0 : i32
    %dma_start3A_233 = arith.constant 0 : i32
    %dma_start3A_234 = tpu.memref_slice %arg3[%dma_start3A_232, %dma_start3A_233] : memref<1024x64xf32, #tpu.memory_space<hbm>> -> memref<1024x64xf32, #tpu.memory_space<hbm>>
    tpu.enqueue_indirect_dma source(%dma_start3A_234 : memref<1024x64xf32, #tpu.memory_space<hbm>>) target(%dma_start3A_228 : memref<128x64xf32, #tpu.memory_space<vmem>>) offsets(%dma_start3A_231 : memref<128xi32, #tpu.memory_space<vmem>>) semaphore(%arg7 : memref<!tpu.dma_semaphore, #tpu.memory_space<semaphore_mem>>)
    %dma_start3A_235 = arith.constant 12 : i32
    %dma_start3A_236 = arith.constant 128 : i32
    %dma_start3A_237 = arith.constant 0 : i32
    %dma_start3A_238 = tpu.memref_slice %arg6[%dma_start3A_236, %dma_start3A_237] : memref<1408x64xf32, #tpu.memory_space<vmem>> -> memref<128x64xf32, #tpu.memory_space<vmem>>
    %dma_start3A_239 = arith.constant 0 : i32
    %dma_start3A_240 = tpu.memref_slice %arg5[%dma_start3A_235, %dma_start3A_239] : memref<22x128xi32, #tpu.memory_space<vmem>> -> memref<1x128xi32, #tpu.memory_space<vmem>>
    %dma_start3A_241 = tpu.memref_squeeze %dma_start3A_240 : memref<1x128xi32, #tpu.memory_space<vmem>> -> memref<128xi32, #tpu.memory_space<vmem>>
    %dma_start3A_242 = arith.constant 0 : i32
    %dma_start3A_243 = arith.constant 0 : i32
    %dma_start3A_244 = tpu.memref_slice %arg3[%dma_start3A_242, %dma_start3A_243] : memref<1024x64xf32, #tpu.memory_space<hbm>> -> memref<1024x64xf32, #tpu.memory_space<hbm>>
    tpu.enqueue_indirect_dma source(%dma_start3A_244 : memref<1024x64xf32, #tpu.memory_space<hbm>>) target(%dma_start3A_238 : memref<128x64xf32, #tpu.memory_space<vmem>>) offsets(%dma_start3A_241 : memref<128xi32, #tpu.memory_space<vmem>>) semaphore(%arg7 : memref<!tpu.dma_semaphore, #tpu.memory_space<semaphore_mem>>)
    %dma_start3A_245 = arith.constant 13 : i32
    %dma_start3A_246 = arith.constant 256 : i32
    %dma_start3A_247 = arith.constant 0 : i32
    %dma_start3A_248 = tpu.memref_slice %arg6[%dma_start3A_246, %dma_start3A_247] : memref<1408x64xf32, #tpu.memory_space<vmem>> -> memref<128x64xf32, #tpu.memory_space<vmem>>
    %dma_start3A_249 = arith.constant 0 : i32
    %dma_start3A_250 = tpu.memref_slice %arg5[%dma_start3A_245, %dma_start3A_249] : memref<22x128xi32, #tpu.memory_space<vmem>> -> memref<1x128xi32, #tpu.memory_space<vmem>>
    %dma_start3A_251 = tpu.memref_squeeze %dma_start3A_250 : memref<1x128xi32, #tpu.memory_space<vmem>> -> memref<128xi32, #tpu.memory_space<vmem>>
    %dma_start3A_252 = arith.constant 0 : i32
    %dma_start3A_253 = arith.constant 0 : i32
    %dma_start3A_254 = tpu.memref_slice %arg3[%dma_start3A_252, %dma_start3A_253] : memref<1024x64xf32, #tpu.memory_space<hbm>> -> memref<1024x64xf32, #tpu.memory_space<hbm>>
    tpu.enqueue_indirect_dma source(%dma_start3A_254 : memref<1024x64xf32, #tpu.memory_space<hbm>>) target(%dma_start3A_248 : memref<128x64xf32, #tpu.memory_space<vmem>>) offsets(%dma_start3A_251 : memref<128xi32, #tpu.memory_space<vmem>>) semaphore(%arg7 : memref<!tpu.dma_semaphore, #tpu.memory_space<semaphore_mem>>)
    %dma_start3A_255 = arith.constant 14 : i32
    %dma_start3A_256 = arith.constant 384 : i32
    %dma_start3A_257 = arith.constant 0 : i32
    %dma_start3A_258 = tpu.memref_slice %arg6[%dma_start3A_256, %dma_start3A_257] : memref<1408x64xf32, #tpu.memory_space<vmem>> -> memref<128x64xf32, #tpu.memory_space<vmem>>
    %dma_start3A_259 = arith.constant 0 : i32
    %dma_start3A_260 = tpu.memref_slice %arg5[%dma_start3A_255, %dma_start3A_259] : memref<22x128xi32, #tpu.memory_space<vmem>> -> memref<1x128xi32, #tpu.memory_space<vmem>>
    %dma_start3A_261 = tpu.memref_squeeze %dma_start3A_260 : memref<1x128xi32, #tpu.memory_space<vmem>> -> memref<128xi32, #tpu.memory_space<vmem>>
    %dma_start3A_262 = arith.constant 0 : i32
    %dma_start3A_263 = arith.constant 0 : i32
    %dma_start3A_264 = tpu.memref_slice %arg3[%dma_start3A_262, %dma_start3A_263] : memref<1024x64xf32, #tpu.memory_space<hbm>> -> memref<1024x64xf32, #tpu.memory_space<hbm>>
    tpu.enqueue_indirect_dma source(%dma_start3A_264 : memref<1024x64xf32, #tpu.memory_space<hbm>>) target(%dma_start3A_258 : memref<128x64xf32, #tpu.memory_space<vmem>>) offsets(%dma_start3A_261 : memref<128xi32, #tpu.memory_space<vmem>>) semaphore(%arg7 : memref<!tpu.dma_semaphore, #tpu.memory_space<semaphore_mem>>)
    %dma_start3A_265 = arith.constant 15 : i32
    %dma_start3A_266 = arith.constant 512 : i32
    %dma_start3A_267 = arith.constant 0 : i32
    %dma_start3A_268 = tpu.memref_slice %arg6[%dma_start3A_266, %dma_start3A_267] : memref<1408x64xf32, #tpu.memory_space<vmem>> -> memref<128x64xf32, #tpu.memory_space<vmem>>
    %dma_start3A_269 = arith.constant 0 : i32
    %dma_start3A_270 = tpu.memref_slice %arg5[%dma_start3A_265, %dma_start3A_269] : memref<22x128xi32, #tpu.memory_space<vmem>> -> memref<1x128xi32, #tpu.memory_space<vmem>>
    %dma_start3A_271 = tpu.memref_squeeze %dma_start3A_270 : memref<1x128xi32, #tpu.memory_space<vmem>> -> memref<128xi32, #tpu.memory_space<vmem>>
    %dma_start3A_272 = arith.constant 0 : i32
    %dma_start3A_273 = arith.constant 0 : i32
    %dma_start3A_274 = tpu.memref_slice %arg3[%dma_start3A_272, %dma_start3A_273] : memref<1024x64xf32, #tpu.memory_space<hbm>> -> memref<1024x64xf32, #tpu.memory_space<hbm>>
    tpu.enqueue_indirect_dma source(%dma_start3A_274 : memref<1024x64xf32, #tpu.memory_space<hbm>>) target(%dma_start3A_268 : memref<128x64xf32, #tpu.memory_space<vmem>>) offsets(%dma_start3A_271 : memref<128xi32, #tpu.memory_space<vmem>>) semaphore(%arg7 : memref<!tpu.dma_semaphore, #tpu.memory_space<semaphore_mem>>)
    %dma_start3A_275 = arith.constant 16 : i32
    %dma_start3A_276 = arith.constant 640 : i32
    %dma_start3A_277 = arith.constant 0 : i32
    %dma_start3A_278 = tpu.memref_slice %arg6[%dma_start3A_276, %dma_start3A_277] : memref<1408x64xf32, #tpu.memory_space<vmem>> -> memref<128x64xf32, #tpu.memory_space<vmem>>
    %dma_start3A_279 = arith.constant 0 : i32
    %dma_start3A_280 = tpu.memref_slice %arg5[%dma_start3A_275, %dma_start3A_279] : memref<22x128xi32, #tpu.memory_space<vmem>> -> memref<1x128xi32, #tpu.memory_space<vmem>>
    %dma_start3A_281 = tpu.memref_squeeze %dma_start3A_280 : memref<1x128xi32, #tpu.memory_space<vmem>> -> memref<128xi32, #tpu.memory_space<vmem>>
    %dma_start3A_282 = arith.constant 0 : i32
    %dma_start3A_283 = arith.constant 0 : i32
    %dma_start3A_284 = tpu.memref_slice %arg3[%dma_start3A_282, %dma_start3A_283] : memref<1024x64xf32, #tpu.memory_space<hbm>> -> memref<1024x64xf32, #tpu.memory_space<hbm>>
    tpu.enqueue_indirect_dma source(%dma_start3A_284 : memref<1024x64xf32, #tpu.memory_space<hbm>>) target(%dma_start3A_278 : memref<128x64xf32, #tpu.memory_space<vmem>>) offsets(%dma_start3A_281 : memref<128xi32, #tpu.memory_space<vmem>>) semaphore(%arg7 : memref<!tpu.dma_semaphore, #tpu.memory_space<semaphore_mem>>)
    %dma_start3A_285 = arith.constant 17 : i32
    %dma_start3A_286 = arith.constant 768 : i32
    %dma_start3A_287 = arith.constant 0 : i32
    %dma_start3A_288 = tpu.memref_slice %arg6[%dma_start3A_286, %dma_start3A_287] : memref<1408x64xf32, #tpu.memory_space<vmem>> -> memref<128x64xf32, #tpu.memory_space<vmem>>
    %dma_start3A_289 = arith.constant 0 : i32
    %dma_start3A_290 = tpu.memref_slice %arg5[%dma_start3A_285, %dma_start3A_289] : memref<22x128xi32, #tpu.memory_space<vmem>> -> memref<1x128xi32, #tpu.memory_space<vmem>>
    %dma_start3A_291 = tpu.memref_squeeze %dma_start3A_290 : memref<1x128xi32, #tpu.memory_space<vmem>> -> memref<128xi32, #tpu.memory_space<vmem>>
    %dma_start3A_292 = arith.constant 0 : i32
    %dma_start3A_293 = arith.constant 0 : i32
    %dma_start3A_294 = tpu.memref_slice %arg3[%dma_start3A_292, %dma_start3A_293] : memref<1024x64xf32, #tpu.memory_space<hbm>> -> memref<1024x64xf32, #tpu.memory_space<hbm>>
    tpu.enqueue_indirect_dma source(%dma_start3A_294 : memref<1024x64xf32, #tpu.memory_space<hbm>>) target(%dma_start3A_288 : memref<128x64xf32, #tpu.memory_space<vmem>>) offsets(%dma_start3A_291 : memref<128xi32, #tpu.memory_space<vmem>>) semaphore(%arg7 : memref<!tpu.dma_semaphore, #tpu.memory_space<semaphore_mem>>)
    %dma_start3A_295 = arith.constant 18 : i32
    %dma_start3A_296 = arith.constant 896 : i32
    %dma_start3A_297 = arith.constant 0 : i32
    %dma_start3A_298 = tpu.memref_slice %arg6[%dma_start3A_296, %dma_start3A_297] : memref<1408x64xf32, #tpu.memory_space<vmem>> -> memref<128x64xf32, #tpu.memory_space<vmem>>
    %dma_start3A_299 = arith.constant 0 : i32
    %dma_start3A_300 = tpu.memref_slice %arg5[%dma_start3A_295, %dma_start3A_299] : memref<22x128xi32, #tpu.memory_space<vmem>> -> memref<1x128xi32, #tpu.memory_space<vmem>>
    %dma_start3A_301 = tpu.memref_squeeze %dma_start3A_300 : memref<1x128xi32, #tpu.memory_space<vmem>> -> memref<128xi32, #tpu.memory_space<vmem>>
    %dma_start3A_302 = arith.constant 0 : i32
    %dma_start3A_303 = arith.constant 0 : i32
    %dma_start3A_304 = tpu.memref_slice %arg3[%dma_start3A_302, %dma_start3A_303] : memref<1024x64xf32, #tpu.memory_space<hbm>> -> memref<1024x64xf32, #tpu.memory_space<hbm>>
    tpu.enqueue_indirect_dma source(%dma_start3A_304 : memref<1024x64xf32, #tpu.memory_space<hbm>>) target(%dma_start3A_298 : memref<128x64xf32, #tpu.memory_space<vmem>>) offsets(%dma_start3A_301 : memref<128xi32, #tpu.memory_space<vmem>>) semaphore(%arg7 : memref<!tpu.dma_semaphore, #tpu.memory_space<semaphore_mem>>)
    %dma_start3A_305 = arith.constant 19 : i32
    %dma_start3A_306 = arith.constant 1024 : i32
    %dma_start3A_307 = arith.constant 0 : i32
    %dma_start3A_308 = tpu.memref_slice %arg6[%dma_start3A_306, %dma_start3A_307] : memref<1408x64xf32, #tpu.memory_space<vmem>> -> memref<128x64xf32, #tpu.memory_space<vmem>>
    %dma_start3A_309 = arith.constant 0 : i32
    %dma_start3A_310 = tpu.memref_slice %arg5[%dma_start3A_305, %dma_start3A_309] : memref<22x128xi32, #tpu.memory_space<vmem>> -> memref<1x128xi32, #tpu.memory_space<vmem>>
    %dma_start3A_311 = tpu.memref_squeeze %dma_start3A_310 : memref<1x128xi32, #tpu.memory_space<vmem>> -> memref<128xi32, #tpu.memory_space<vmem>>
    %dma_start3A_312 = arith.constant 0 : i32
    %dma_start3A_313 = arith.constant 0 : i32
    %dma_start3A_314 = tpu.memref_slice %arg3[%dma_start3A_312, %dma_start3A_313] : memref<1024x64xf32, #tpu.memory_space<hbm>> -> memref<1024x64xf32, #tpu.memory_space<hbm>>
    tpu.enqueue_indirect_dma source(%dma_start3A_314 : memref<1024x64xf32, #tpu.memory_space<hbm>>) target(%dma_start3A_308 : memref<128x64xf32, #tpu.memory_space<vmem>>) offsets(%dma_start3A_311 : memref<128xi32, #tpu.memory_space<vmem>>) semaphore(%arg7 : memref<!tpu.dma_semaphore, #tpu.memory_space<semaphore_mem>>)
    %dma_start3A_315 = arith.constant 20 : i32
    %dma_start3A_316 = arith.constant 1152 : i32
    %dma_start3A_317 = arith.constant 0 : i32
    %dma_start3A_318 = tpu.memref_slice %arg6[%dma_start3A_316, %dma_start3A_317] : memref<1408x64xf32, #tpu.memory_space<vmem>> -> memref<128x64xf32, #tpu.memory_space<vmem>>
    %dma_start3A_319 = arith.constant 0 : i32
    %dma_start3A_320 = tpu.memref_slice %arg5[%dma_start3A_315, %dma_start3A_319] : memref<22x128xi32, #tpu.memory_space<vmem>> -> memref<1x128xi32, #tpu.memory_space<vmem>>
    %dma_start3A_321 = tpu.memref_squeeze %dma_start3A_320 : memref<1x128xi32, #tpu.memory_space<vmem>> -> memref<128xi32, #tpu.memory_space<vmem>>
    %dma_start3A_322 = arith.constant 0 : i32
    %dma_start3A_323 = arith.constant 0 : i32
    %dma_start3A_324 = tpu.memref_slice %arg3[%dma_start3A_322, %dma_start3A_323] : memref<1024x64xf32, #tpu.memory_space<hbm>> -> memref<1024x64xf32, #tpu.memory_space<hbm>>
    tpu.enqueue_indirect_dma source(%dma_start3A_324 : memref<1024x64xf32, #tpu.memory_space<hbm>>) target(%dma_start3A_318 : memref<128x64xf32, #tpu.memory_space<vmem>>) offsets(%dma_start3A_321 : memref<128xi32, #tpu.memory_space<vmem>>) semaphore(%arg7 : memref<!tpu.dma_semaphore, #tpu.memory_space<semaphore_mem>>)
    %dma_start3A_325 = arith.constant 21 : i32
    %dma_start3A_326 = arith.constant 1280 : i32
    %dma_start3A_327 = arith.constant 0 : i32
    %dma_start3A_328 = tpu.memref_slice %arg6[%dma_start3A_326, %dma_start3A_327] : memref<1408x64xf32, #tpu.memory_space<vmem>> -> memref<128x64xf32, #tpu.memory_space<vmem>>
    %dma_start3A_329 = arith.constant 0 : i32
    %dma_start3A_330 = tpu.memref_slice %arg5[%dma_start3A_325, %dma_start3A_329] : memref<22x128xi32, #tpu.memory_space<vmem>> -> memref<1x128xi32, #tpu.memory_space<vmem>>
    %dma_start3A_331 = tpu.memref_squeeze %dma_start3A_330 : memref<1x128xi32, #tpu.memory_space<vmem>> -> memref<128xi32, #tpu.memory_space<vmem>>
    %dma_start3A_332 = arith.constant 0 : i32
    %dma_start3A_333 = arith.constant 0 : i32
    %dma_start3A_334 = tpu.memref_slice %arg3[%dma_start3A_332, %dma_start3A_333] : memref<1024x64xf32, #tpu.memory_space<hbm>> -> memref<1024x64xf32, #tpu.memory_space<hbm>>
    tpu.enqueue_indirect_dma source(%dma_start3A_334 : memref<1024x64xf32, #tpu.memory_space<hbm>>) target(%dma_start3A_328 : memref<128x64xf32, #tpu.memory_space<vmem>>) offsets(%dma_start3A_331 : memref<128xi32, #tpu.memory_space<vmem>>) semaphore(%arg7 : memref<!tpu.dma_semaphore, #tpu.memory_space<semaphore_mem>>)
    %dma_wait3A_335 = arith.constant 11 : i32
    %dma_wait3A_336 = arith.constant 0 : i32
    %dma_wait3A_337 = arith.constant 0 : i32
    %dma_wait3A_338 = tpu.memref_slice %arg6[%dma_wait3A_336, %dma_wait3A_337] : memref<1408x64xf32, #tpu.memory_space<vmem>> -> memref<128x64xf32, #tpu.memory_space<vmem>>
    %dma_wait3A_339 = arith.constant 0 : i32
    %dma_wait3A_340 = tpu.memref_slice %arg5[%dma_wait3A_335, %dma_wait3A_339] : memref<22x128xi32, #tpu.memory_space<vmem>> -> memref<1x128xi32, #tpu.memory_space<vmem>>
    %dma_wait3A_341 = tpu.memref_squeeze %dma_wait3A_340 : memref<1x128xi32, #tpu.memory_space<vmem>> -> memref<128xi32, #tpu.memory_space<vmem>>
    %dma_wait3A_342 = arith.constant 0 : i32
    %dma_wait3A_343 = arith.constant 0 : i32
    %dma_wait3A_344 = tpu.memref_slice %arg3[%dma_wait3A_342, %dma_wait3A_343] : memref<1024x64xf32, #tpu.memory_space<hbm>> -> memref<1024x64xf32, #tpu.memory_space<hbm>>
    tpu.wait_indirect_dma semaphore(%arg7 : memref<!tpu.dma_semaphore, #tpu.memory_space<semaphore_mem>>) src(%dma_wait3A_344 : memref<1024x64xf32, #tpu.memory_space<hbm>>) dst(%dma_wait3A_338 : memref<128x64xf32, #tpu.memory_space<vmem>>)
    %dma_wait3A_345 = arith.constant 12 : i32
    %dma_wait3A_346 = arith.constant 128 : i32
    %dma_wait3A_347 = arith.constant 0 : i32
    %dma_wait3A_348 = tpu.memref_slice %arg6[%dma_wait3A_346, %dma_wait3A_347] : memref<1408x64xf32, #tpu.memory_space<vmem>> -> memref<128x64xf32, #tpu.memory_space<vmem>>
    %dma_wait3A_349 = arith.constant 0 : i32
    %dma_wait3A_350 = tpu.memref_slice %arg5[%dma_wait3A_345, %dma_wait3A_349] : memref<22x128xi32, #tpu.memory_space<vmem>> -> memref<1x128xi32, #tpu.memory_space<vmem>>
    %dma_wait3A_351 = tpu.memref_squeeze %dma_wait3A_350 : memref<1x128xi32, #tpu.memory_space<vmem>> -> memref<128xi32, #tpu.memory_space<vmem>>
    %dma_wait3A_352 = arith.constant 0 : i32
    %dma_wait3A_353 = arith.constant 0 : i32
    %dma_wait3A_354 = tpu.memref_slice %arg3[%dma_wait3A_352, %dma_wait3A_353] : memref<1024x64xf32, #tpu.memory_space<hbm>> -> memref<1024x64xf32, #tpu.memory_space<hbm>>
    tpu.wait_indirect_dma semaphore(%arg7 : memref<!tpu.dma_semaphore, #tpu.memory_space<semaphore_mem>>) src(%dma_wait3A_354 : memref<1024x64xf32, #tpu.memory_space<hbm>>) dst(%dma_wait3A_348 : memref<128x64xf32, #tpu.memory_space<vmem>>)
    %dma_wait3A_355 = arith.constant 13 : i32
    %dma_wait3A_356 = arith.constant 256 : i32
    %dma_wait3A_357 = arith.constant 0 : i32
    %dma_wait3A_358 = tpu.memref_slice %arg6[%dma_wait3A_356, %dma_wait3A_357] : memref<1408x64xf32, #tpu.memory_space<vmem>> -> memref<128x64xf32, #tpu.memory_space<vmem>>
    %dma_wait3A_359 = arith.constant 0 : i32
    %dma_wait3A_360 = tpu.memref_slice %arg5[%dma_wait3A_355, %dma_wait3A_359] : memref<22x128xi32, #tpu.memory_space<vmem>> -> memref<1x128xi32, #tpu.memory_space<vmem>>
    %dma_wait3A_361 = tpu.memref_squeeze %dma_wait3A_360 : memref<1x128xi32, #tpu.memory_space<vmem>> -> memref<128xi32, #tpu.memory_space<vmem>>
    %dma_wait3A_362 = arith.constant 0 : i32
    %dma_wait3A_363 = arith.constant 0 : i32
    %dma_wait3A_364 = tpu.memref_slice %arg3[%dma_wait3A_362, %dma_wait3A_363] : memref<1024x64xf32, #tpu.memory_space<hbm>> -> memref<1024x64xf32, #tpu.memory_space<hbm>>
    tpu.wait_indirect_dma semaphore(%arg7 : memref<!tpu.dma_semaphore, #tpu.memory_space<semaphore_mem>>) src(%dma_wait3A_364 : memref<1024x64xf32, #tpu.memory_space<hbm>>) dst(%dma_wait3A_358 : memref<128x64xf32, #tpu.memory_space<vmem>>)
    %dma_wait3A_365 = arith.constant 14 : i32
    %dma_wait3A_366 = arith.constant 384 : i32
    %dma_wait3A_367 = arith.constant 0 : i32
    %dma_wait3A_368 = tpu.memref_slice %arg6[%dma_wait3A_366, %dma_wait3A_367] : memref<1408x64xf32, #tpu.memory_space<vmem>> -> memref<128x64xf32, #tpu.memory_space<vmem>>
    %dma_wait3A_369 = arith.constant 0 : i32
    %dma_wait3A_370 = tpu.memref_slice %arg5[%dma_wait3A_365, %dma_wait3A_369] : memref<22x128xi32, #tpu.memory_space<vmem>> -> memref<1x128xi32, #tpu.memory_space<vmem>>
    %dma_wait3A_371 = tpu.memref_squeeze %dma_wait3A_370 : memref<1x128xi32, #tpu.memory_space<vmem>> -> memref<128xi32, #tpu.memory_space<vmem>>
    %dma_wait3A_372 = arith.constant 0 : i32
    %dma_wait3A_373 = arith.constant 0 : i32
    %dma_wait3A_374 = tpu.memref_slice %arg3[%dma_wait3A_372, %dma_wait3A_373] : memref<1024x64xf32, #tpu.memory_space<hbm>> -> memref<1024x64xf32, #tpu.memory_space<hbm>>
    tpu.wait_indirect_dma semaphore(%arg7 : memref<!tpu.dma_semaphore, #tpu.memory_space<semaphore_mem>>) src(%dma_wait3A_374 : memref<1024x64xf32, #tpu.memory_space<hbm>>) dst(%dma_wait3A_368 : memref<128x64xf32, #tpu.memory_space<vmem>>)
    %dma_wait3A_375 = arith.constant 15 : i32
    %dma_wait3A_376 = arith.constant 512 : i32
    %dma_wait3A_377 = arith.constant 0 : i32
    %dma_wait3A_378 = tpu.memref_slice %arg6[%dma_wait3A_376, %dma_wait3A_377] : memref<1408x64xf32, #tpu.memory_space<vmem>> -> memref<128x64xf32, #tpu.memory_space<vmem>>
    %dma_wait3A_379 = arith.constant 0 : i32
    %dma_wait3A_380 = tpu.memref_slice %arg5[%dma_wait3A_375, %dma_wait3A_379] : memref<22x128xi32, #tpu.memory_space<vmem>> -> memref<1x128xi32, #tpu.memory_space<vmem>>
    %dma_wait3A_381 = tpu.memref_squeeze %dma_wait3A_380 : memref<1x128xi32, #tpu.memory_space<vmem>> -> memref<128xi32, #tpu.memory_space<vmem>>
    %dma_wait3A_382 = arith.constant 0 : i32
    %dma_wait3A_383 = arith.constant 0 : i32
    %dma_wait3A_384 = tpu.memref_slice %arg3[%dma_wait3A_382, %dma_wait3A_383] : memref<1024x64xf32, #tpu.memory_space<hbm>> -> memref<1024x64xf32, #tpu.memory_space<hbm>>
    tpu.wait_indirect_dma semaphore(%arg7 : memref<!tpu.dma_semaphore, #tpu.memory_space<semaphore_mem>>) src(%dma_wait3A_384 : memref<1024x64xf32, #tpu.memory_space<hbm>>) dst(%dma_wait3A_378 : memref<128x64xf32, #tpu.memory_space<vmem>>)
    %dma_wait3A_385 = arith.constant 16 : i32
    %dma_wait3A_386 = arith.constant 640 : i32
    %dma_wait3A_387 = arith.constant 0 : i32
    %dma_wait3A_388 = tpu.memref_slice %arg6[%dma_wait3A_386, %dma_wait3A_387] : memref<1408x64xf32, #tpu.memory_space<vmem>> -> memref<128x64xf32, #tpu.memory_space<vmem>>
    %dma_wait3A_389 = arith.constant 0 : i32
    %dma_wait3A_390 = tpu.memref_slice %arg5[%dma_wait3A_385, %dma_wait3A_389] : memref<22x128xi32, #tpu.memory_space<vmem>> -> memref<1x128xi32, #tpu.memory_space<vmem>>
    %dma_wait3A_391 = tpu.memref_squeeze %dma_wait3A_390 : memref<1x128xi32, #tpu.memory_space<vmem>> -> memref<128xi32, #tpu.memory_space<vmem>>
    %dma_wait3A_392 = arith.constant 0 : i32
    %dma_wait3A_393 = arith.constant 0 : i32
    %dma_wait3A_394 = tpu.memref_slice %arg3[%dma_wait3A_392, %dma_wait3A_393] : memref<1024x64xf32, #tpu.memory_space<hbm>> -> memref<1024x64xf32, #tpu.memory_space<hbm>>
    tpu.wait_indirect_dma semaphore(%arg7 : memref<!tpu.dma_semaphore, #tpu.memory_space<semaphore_mem>>) src(%dma_wait3A_394 : memref<1024x64xf32, #tpu.memory_space<hbm>>) dst(%dma_wait3A_388 : memref<128x64xf32, #tpu.memory_space<vmem>>)
    %dma_wait3A_395 = arith.constant 17 : i32
    %dma_wait3A_396 = arith.constant 768 : i32
    %dma_wait3A_397 = arith.constant 0 : i32
    %dma_wait3A_398 = tpu.memref_slice %arg6[%dma_wait3A_396, %dma_wait3A_397] : memref<1408x64xf32, #tpu.memory_space<vmem>> -> memref<128x64xf32, #tpu.memory_space<vmem>>
    %dma_wait3A_399 = arith.constant 0 : i32
    %dma_wait3A_400 = tpu.memref_slice %arg5[%dma_wait3A_395, %dma_wait3A_399] : memref<22x128xi32, #tpu.memory_space<vmem>> -> memref<1x128xi32, #tpu.memory_space<vmem>>
    %dma_wait3A_401 = tpu.memref_squeeze %dma_wait3A_400 : memref<1x128xi32, #tpu.memory_space<vmem>> -> memref<128xi32, #tpu.memory_space<vmem>>
    %dma_wait3A_402 = arith.constant 0 : i32
    %dma_wait3A_403 = arith.constant 0 : i32
    %dma_wait3A_404 = tpu.memref_slice %arg3[%dma_wait3A_402, %dma_wait3A_403] : memref<1024x64xf32, #tpu.memory_space<hbm>> -> memref<1024x64xf32, #tpu.memory_space<hbm>>
    tpu.wait_indirect_dma semaphore(%arg7 : memref<!tpu.dma_semaphore, #tpu.memory_space<semaphore_mem>>) src(%dma_wait3A_404 : memref<1024x64xf32, #tpu.memory_space<hbm>>) dst(%dma_wait3A_398 : memref<128x64xf32, #tpu.memory_space<vmem>>)
    %dma_wait3A_405 = arith.constant 18 : i32
    %dma_wait3A_406 = arith.constant 896 : i32
    %dma_wait3A_407 = arith.constant 0 : i32
    %dma_wait3A_408 = tpu.memref_slice %arg6[%dma_wait3A_406, %dma_wait3A_407] : memref<1408x64xf32, #tpu.memory_space<vmem>> -> memref<128x64xf32, #tpu.memory_space<vmem>>
    %dma_wait3A_409 = arith.constant 0 : i32
    %dma_wait3A_410 = tpu.memref_slice %arg5[%dma_wait3A_405, %dma_wait3A_409] : memref<22x128xi32, #tpu.memory_space<vmem>> -> memref<1x128xi32, #tpu.memory_space<vmem>>
    %dma_wait3A_411 = tpu.memref_squeeze %dma_wait3A_410 : memref<1x128xi32, #tpu.memory_space<vmem>> -> memref<128xi32, #tpu.memory_space<vmem>>
    %dma_wait3A_412 = arith.constant 0 : i32
    %dma_wait3A_413 = arith.constant 0 : i32
    %dma_wait3A_414 = tpu.memref_slice %arg3[%dma_wait3A_412, %dma_wait3A_413] : memref<1024x64xf32, #tpu.memory_space<hbm>> -> memref<1024x64xf32, #tpu.memory_space<hbm>>
    tpu.wait_indirect_dma semaphore(%arg7 : memref<!tpu.dma_semaphore, #tpu.memory_space<semaphore_mem>>) src(%dma_wait3A_414 : memref<1024x64xf32, #tpu.memory_space<hbm>>) dst(%dma_wait3A_408 : memref<128x64xf32, #tpu.memory_space<vmem>>)
    %dma_wait3A_415 = arith.constant 19 : i32
    %dma_wait3A_416 = arith.constant 1024 : i32
    %dma_wait3A_417 = arith.constant 0 : i32
    %dma_wait3A_418 = tpu.memref_slice %arg6[%dma_wait3A_416, %dma_wait3A_417] : memref<1408x64xf32, #tpu.memory_space<vmem>> -> memref<128x64xf32, #tpu.memory_space<vmem>>
    %dma_wait3A_419 = arith.constant 0 : i32
    %dma_wait3A_420 = tpu.memref_slice %arg5[%dma_wait3A_415, %dma_wait3A_419] : memref<22x128xi32, #tpu.memory_space<vmem>> -> memref<1x128xi32, #tpu.memory_space<vmem>>
    %dma_wait3A_421 = tpu.memref_squeeze %dma_wait3A_420 : memref<1x128xi32, #tpu.memory_space<vmem>> -> memref<128xi32, #tpu.memory_space<vmem>>
    %dma_wait3A_422 = arith.constant 0 : i32
    %dma_wait3A_423 = arith.constant 0 : i32
    %dma_wait3A_424 = tpu.memref_slice %arg3[%dma_wait3A_422, %dma_wait3A_423] : memref<1024x64xf32, #tpu.memory_space<hbm>> -> memref<1024x64xf32, #tpu.memory_space<hbm>>
    tpu.wait_indirect_dma semaphore(%arg7 : memref<!tpu.dma_semaphore, #tpu.memory_space<semaphore_mem>>) src(%dma_wait3A_424 : memref<1024x64xf32, #tpu.memory_space<hbm>>) dst(%dma_wait3A_418 : memref<128x64xf32, #tpu.memory_space<vmem>>)
    %dma_wait3A_425 = arith.constant 20 : i32
    %dma_wait3A_426 = arith.constant 1152 : i32
    %dma_wait3A_427 = arith.constant 0 : i32
    %dma_wait3A_428 = tpu.memref_slice %arg6[%dma_wait3A_426, %dma_wait3A_427] : memref<1408x64xf32, #tpu.memory_space<vmem>> -> memref<128x64xf32, #tpu.memory_space<vmem>>
    %dma_wait3A_429 = arith.constant 0 : i32
    %dma_wait3A_430 = tpu.memref_slice %arg5[%dma_wait3A_425, %dma_wait3A_429] : memref<22x128xi32, #tpu.memory_space<vmem>> -> memref<1x128xi32, #tpu.memory_space<vmem>>
    %dma_wait3A_431 = tpu.memref_squeeze %dma_wait3A_430 : memref<1x128xi32, #tpu.memory_space<vmem>> -> memref<128xi32, #tpu.memory_space<vmem>>
    %dma_wait3A_432 = arith.constant 0 : i32
    %dma_wait3A_433 = arith.constant 0 : i32
    %dma_wait3A_434 = tpu.memref_slice %arg3[%dma_wait3A_432, %dma_wait3A_433] : memref<1024x64xf32, #tpu.memory_space<hbm>> -> memref<1024x64xf32, #tpu.memory_space<hbm>>
    tpu.wait_indirect_dma semaphore(%arg7 : memref<!tpu.dma_semaphore, #tpu.memory_space<semaphore_mem>>) src(%dma_wait3A_434 : memref<1024x64xf32, #tpu.memory_space<hbm>>) dst(%dma_wait3A_428 : memref<128x64xf32, #tpu.memory_space<vmem>>)
    %dma_wait3A_435 = arith.constant 21 : i32
    %dma_wait3A_436 = arith.constant 1280 : i32
    %dma_wait3A_437 = arith.constant 0 : i32
    %dma_wait3A_438 = tpu.memref_slice %arg6[%dma_wait3A_436, %dma_wait3A_437] : memref<1408x64xf32, #tpu.memory_space<vmem>> -> memref<128x64xf32, #tpu.memory_space<vmem>>
    %dma_wait3A_439 = arith.constant 0 : i32
    %dma_wait3A_440 = tpu.memref_slice %arg5[%dma_wait3A_435, %dma_wait3A_439] : memref<22x128xi32, #tpu.memory_space<vmem>> -> memref<1x128xi32, #tpu.memory_space<vmem>>
    %dma_wait3A_441 = tpu.memref_squeeze %dma_wait3A_440 : memref<1x128xi32, #tpu.memory_space<vmem>> -> memref<128xi32, #tpu.memory_space<vmem>>
    %dma_wait3A_442 = arith.constant 0 : i32
    %dma_wait3A_443 = arith.constant 0 : i32
    %dma_wait3A_444 = tpu.memref_slice %arg3[%dma_wait3A_442, %dma_wait3A_443] : memref<1024x64xf32, #tpu.memory_space<hbm>> -> memref<1024x64xf32, #tpu.memory_space<hbm>>
    tpu.wait_indirect_dma semaphore(%arg7 : memref<!tpu.dma_semaphore, #tpu.memory_space<semaphore_mem>>) src(%dma_wait3A_444 : memref<1024x64xf32, #tpu.memory_space<hbm>>) dst(%dma_wait3A_438 : memref<128x64xf32, #tpu.memory_space<vmem>>)
    %mul3A_445 = arith.constant 22 : i32
    %mul3A_446 = arith.muli %add3A, %mul3A_445 : i32
    %add3A_447 = arith.constant 11 : i32
    %add3A_448 = arith.addi %mul3A_446, %add3A_447 : i32
    %mul3A_449 = arith.constant 128 : i32
    %mul3A_450 = arith.muli %add3A_448, %mul3A_449 : i32
    "tpu.region"() ({
      %run_scoped3A = tpu.sem_alloc : memref<!tpu.dma_semaphore, #tpu.memory_space<semaphore_mem>>
      %dma_start3A_451 = arith.constant 0 : i32
      %dma_start3A_452 = tpu.memref_slice %arg4[%mul3A_450, %dma_start3A_451] : memref<90112x64xf32, #tpu.memory_space<hbm>> -> memref<1408x64xf32, #tpu.memory_space<hbm>>
      %dma_start3A_453 = arith.constant 0 : i32
      %dma_start3A_454 = tpu.memref_slice %arg4[%mul3A_450, %dma_start3A_453] : memref<90112x64xf32, #tpu.memory_space<hbm>> -> memref<1408x64xf32, #tpu.memory_space<hbm>>
      tpu.enqueue_dma source(%arg6 : memref<1408x64xf32, #tpu.memory_space<vmem>>) target(%dma_start3A_454 : memref<1408x64xf32, #tpu.memory_space<hbm>>) target_semaphore(%run_scoped3A : memref<!tpu.dma_semaphore, #tpu.memory_space<semaphore_mem>>)
      %dma_wait3A_455 = arith.constant 0 : i32
      %dma_wait3A_456 = tpu.memref_slice %arg4[%mul3A_450, %dma_wait3A_455] : memref<90112x64xf32, #tpu.memory_space<hbm>> -> memref<1408x64xf32, #tpu.memory_space<hbm>>
      %dma_wait3A_457 = arith.constant 0 : i32
      %dma_wait3A_458 = tpu.memref_slice %arg4[%mul3A_450, %dma_wait3A_457] : memref<90112x64xf32, #tpu.memory_space<hbm>> -> memref<1408x64xf32, #tpu.memory_space<hbm>>
      tpu.wait_dma2 semaphore(%run_scoped3A : memref<!tpu.dma_semaphore, #tpu.memory_space<semaphore_mem>>) src(%arg6 : memref<1408x64xf32, #tpu.memory_space<vmem>>) dst(%dma_wait3A_458 : memref<1408x64xf32, #tpu.memory_space<hbm>>)
      tpu.yield
    }) : () -> ()
    return
  }
}

module attributes {stable_mosaic.version = 14 : i64} {
  func.func @_vq_argmin_body(%arg0: i32, %arg1: memref<4096x64xbf16, #tpu.memory_space<vmem>>, %arg2: memref<1x4096x1xf32, #tpu.memory_space<vmem>>, %arg3: memref<1024x64xbf16, #tpu.memory_space<vmem>>, %arg4: memref<1x1024xf32, #tpu.memory_space<vmem>>, %arg5: memref<1x1x4096xi32, #tpu.memory_space<vmem>>) attributes {dimension_semantics = [#tpu.dimension_semantics<arbitrary>], iteration_bounds = array<i64: 22>, scalar_prefetch = 0 : i64, scratch_operands = 0 : i64, tpu.core_type = #tpu.core_type<tc>, window_params = [{transform_indices = @transform_0, window_bounds = array<i64: 4096, 64>}, {transform_indices = @transform_1, window_bounds = array<i64: 1, 4096, 1>}, {pipeline_mode = #tpu.pipeline_mode<synchronous>, transform_indices = @transform_2, window_bounds = array<i64: 1024, 64>}, {pipeline_mode = #tpu.pipeline_mode<synchronous>, transform_indices = @transform_3, window_bounds = array<i64: 1, 1024>}, {transform_indices = @transform_4, window_bounds = array<i64: 1, 1, 4096>}]} {
    %get3A = arith.constant 0 : index
    %get3A_0 = arith.constant 0 : index
    %get3A_1 = vector.load %arg1[%get3A, %get3A_0] : memref<4096x64xbf16, #tpu.memory_space<vmem>>, vector<4096x64xbf16>
    %get3A_2 = arith.constant 0 : index
    %get3A_3 = arith.constant 0 : index
    %get3A_4 = vector.load %arg3[%get3A_2, %get3A_3] : memref<1024x64xbf16, #tpu.memory_space<vmem>>, vector<1024x64xbf16>
    %dot_general3A = arith.constant dense<0.000000e+00> : vector<4096x1024xf32>
    %dot_general3A_5 = tpu.matmul %get3A_1, %get3A_4, %dot_general3A {dimension_numbers = #tpu.dot_dimension_numbers<[1], [1], [0], [0], [0, 0, 1, 0], [], []>, transpose_lhs_hint = false} : vector<4096x64xbf16>, vector<1024x64xbf16>, vector<4096x1024xf32> -> vector<4096x1024xf32>
    %get3A_6 = arith.constant 0 : index
    %get3A_7 = arith.constant 0 : index
    %get3A_8 = arith.constant 0 : index
    %get3A_9 = vector.load %arg2[%get3A_6, %get3A_7, %get3A_8] : memref<1x4096x1xf32, #tpu.memory_space<vmem>>, vector<1x4096x1xf32>
    %get3A_10 = vector.shape_cast %get3A_9 : vector<1x4096x1xf32> to vector<4096x1xf32>
    %mul3A = arith.constant 2.000000e+00 : f32
    %mul3A_11 = vector.broadcast %mul3A : f32 to vector<4096x1024xf32>
    %mul3A_12 = arith.mulf %mul3A_11, %dot_general3A_5 : vector<4096x1024xf32>
    %sub3A = vector.broadcast %get3A_10 : vector<4096x1xf32> to vector<4096x1024xf32>
    %sub3A_13 = arith.subf %sub3A, %mul3A_12 : vector<4096x1024xf32>
    %get3A_14 = arith.constant 0 : index
    %get3A_15 = arith.constant 0 : index
    %get3A_16 = vector.load %arg4[%get3A_14, %get3A_15] : memref<1x1024xf32, #tpu.memory_space<vmem>>, vector<1x1024xf32>
    %add3A = vector.broadcast %get3A_16 : vector<1x1024xf32> to vector<4096x1024xf32>
    %add3A_17 = arith.addf %sub3A_13, %add3A : vector<4096x1024xf32>
    %reduce_min3A = arith.constant dense<0x7F800000> : vector<4096xf32>
    %reduce_min3A_18 = vector.multi_reduction <minimumf>, %add3A_17, %reduce_min3A [1] : vector<4096x1024xf32> to vector<4096xf32>
    %broadcast_in_dim3A = vector.shape_cast %reduce_min3A_18 : vector<4096xf32> to vector<4096x1xf32>
    %iota3A = tpu.iota {dimensions = array<i32: 1>} : vector<4096x1024xi32>
    %eq3A = vector.broadcast %broadcast_in_dim3A : vector<4096x1xf32> to vector<4096x1024xf32>
    %eq3A_19 = arith.cmpf oeq, %add3A_17, %eq3A : vector<4096x1024xf32>
    %jit3A = arith.constant 1023 : i32
    %broadcast_in_dim3A_20 = vector.broadcast %jit3A : i32 to vector<4096x1024xi32>
    %select_n3A = arith.select %eq3A_19, %iota3A, %broadcast_in_dim3A_20 : vector<4096x1024xi1>, vector<4096x1024xi32>
    %reduce_min3A_21 = arith.constant dense<2147483647> : vector<4096xi32>
    %reduce_min3A_22 = vector.multi_reduction <minsi>, %select_n3A, %reduce_min3A_21 [1] : vector<4096x1024xi32> to vector<4096xi32>
    %broadcast_in_dim3A_23 = vector.shape_cast %reduce_min3A_22 : vector<4096xi32> to vector<1x1x4096xi32>
    %swap3A = arith.constant 0 : index
    %swap3A_24 = arith.constant 0 : index
    %swap3A_25 = arith.constant 0 : index
    %swap3A_26 = vector.load %arg5[%swap3A, %swap3A_24, %swap3A_25] : memref<1x1x4096xi32, #tpu.memory_space<vmem>>, vector<1x1x4096xi32>
    tpu.vector_store %arg5[%swap3A, %swap3A_24, %swap3A_25], %broadcast_in_dim3A_23 {strides = array<i32>} : memref<1x1x4096xi32, #tpu.memory_space<vmem>>, vector<1x1x4096xi32>,
    return
  }
  func.func @transform_0(%arg0: i32) -> (i32, i32) {
    %c0_i32 = arith.constant 0 : i32
    %c0_i32_0 = arith.constant 0 : i32
    return %arg0, %c0_i32 : i32, i32
  }
  func.func @transform_1(%arg0: i32) -> (i32, i32, i32) {
    %c0_i32 = arith.constant 0 : i32
    %c0_i32_0 = arith.constant 0 : i32
    %c0_i32_1 = arith.constant 0 : i32
    return %arg0, %c0_i32, %c0_i32_0 : i32, i32, i32
  }
  func.func @transform_2(%arg0: i32) -> (i32, i32) {
    %c0_i32 = arith.constant 0 : i32
    %c0_i32_0 = arith.constant 0 : i32
    %c0_i32_1 = arith.constant 0 : i32
    return %c0_i32, %c0_i32_0 : i32, i32
  }
  func.func @transform_3(%arg0: i32) -> (i32, i32) {
    %c0_i32 = arith.constant 0 : i32
    %c0_i32_0 = arith.constant 0 : i32
    %c0_i32_1 = arith.constant 0 : i32
    return %c0_i32, %c0_i32_0 : i32, i32
  }
  func.func @transform_4(%arg0: i32) -> (i32, i32, i32) {
    %c0_i32 = arith.constant 0 : i32
    %c0_i32_0 = arith.constant 0 : i32
    %c0_i32_1 = arith.constant 0 : i32
    return %arg0, %c0_i32, %c0_i32_0 : i32, i32, i32
  }
}

</mosaic_0001>

<sc_bundles>
// kernel: kernel.4.cloned.1.call-start
scs
__scs_entry_jumppad:
0x0: {  	(pc) =	sbr.rel $0x88, $3  }
0x1: {  	(tag) =	ssettag $0x0;
	lr =	simm.s32 $0x1  }
0x2: {  	[smem:$0x3F93] =	sst lr;
	_ =	strace $0xD0000000  }
0x3: {  	_ = 	snop  }
0x4: {  	_ = 	snop  }
0x5: {  	_ = 	snop  }
0x6: {  	_ = 	snop  }
0x7: {  	_ = 	snop  }
__scs_overlays_trampoline_lowered:
0x8: {  	[smem:$0x3FA2] =	sst s0  }
0x9: {  	[smem:$0x3FA3] =	sst s1  }
0xa: {  	[smem:$0x3FA4] =	sst s2  }
0xb: {  	[smem:$0x3FA5] =	sst s3  }
0xc: {  	[smem:$0x3FA6] =	sst s4  }
0xd: {  	[smem:$0x3FA7] =	sst s5  }
0xe: {  	[smem:$0x3FA8] =	sst s6  }
0xf: {  	[smem:$0x3FA9] =	sst s7  }
0x10: {  	[smem:$0x3FAA] =	sst s8  }
0x11: {  	[smem:$0x3FAB] =	sst s9;
	s0 =	simm.s32 @!p0 $0x0  }
0x12: {  	s1 =	sld [smem:$0x3F91];
	s0 =	simm.s32 @p0 $0x1  }
0x13: {  	[smem:$0x3FAC] =	sst s0;
	s0 =	simm.s32 @!p1 $0x0  }
0x14: {  	s2 =	sld [smem:$0x3F90];
	s0 =	simm.s32 @p1 $0x1  }
0x15: {  	[smem:$0x3FAD] =	sst s0;
	s0 =	simm.s32 @!p2 $0x0  }
0x16: {  	s3 =	sld [smem:$0x3FDB];
	s0 =	simm.s32 @p2 $0x1  }
0x17: {  	s4 =	simm.s32 $0x1BF5;
	[smem:$0x3FAF] =	sst s0  }
0x18: {  	s0 =	sld [smem:$0x3F92];
	_ =	swait.ge [sflag:s4], $0x0  }
0x19: {  	s7 =	sld [smem:$0x3F93]  }
0x1a: {  	s8 =	sadd.s32 $0xFFFFE003, lr  }
0x1b: {  	s9 =	sadd.s32 $0xFFFFFEF7, lr;
	s5 =	simm.s32 $0xFFFFFFFF;
	p2 =	slt.u32 s8, $0xFFFFF086  }
0x1c: {  	p1 =	slt.u32 s9, $0xF7A;
	s5 =	simm.s32 @!p2 $0x0  }
0x1d: {  	s5 =	simm.s32 @p1 $0x1;
	p0 =	seq.s32 s7, s2  }
0x1e: {  	s7 =	smul.u32 @!p0 $0xF7A, s2;
	p2 =	seq.s32 @!p0 s5, $0x0  }
0x1f: {  	s9 =	smul.u32 $0xF7A, s1;
	s8 =	simm.s32 @!p0 $0x1BF5;
	p2 =	por !p2, p0  }
0x20: {  	[sflag:s8] =	ssyncset.s32 @!p0 $0xFFFFF086;
	s6 =	sadd.s32 @!p0 s3, s7;
	s7 =	simm.s32 @!p0 $0x108  }
0x21: {  	s3 =	sadd.s32 s3, s9;
	s6 =	sadd.s32 @!p0 $0x88, s6;
	s7 =	simm.s32 @p2 $0x1082  }
0x22: {  	[simem:s7], [sflag:s8] =	dma.local @!p0 [hbm:s6], $0xF7A  }
0x23: {  	s9 =	sor.u32 $0xD0000000, s2;
	s6 =	simm.s32 $0x108;
	_ =	swait.ge @!p0 [sflag:s8], $0x0  }
0x24: {  	s3 =	sadd.s32 $0x88, s3;
	s6 =	simm.s32 @!p1 $0x1082;
	[sflag:s4] =	ssyncset.s32 $0xFFFFF086  }
0x25: {  	[simem:s6], [sflag:s4] =	dma.local [hbm:s3], $0xF7A  }
0x26: {  	[smem:$0x3F93] =	sst s1;
	(tag) =	ssettag s2;
	_ =	strace s9  }
0x27: {  	s1 =	sld [smem:$0x3FA3]  }
0x28: {  	s2 =	sld [smem:$0x3FA4]  }
0x29: {  	s4 =	sld [smem:$0x3FA6]  }
0x2a: {  	p0 =	seq.s32 s5, $0x0;
	s5 =	sld [smem:$0x3FA7]  }
0x2b: {  	s6 =	sld [smem:$0x3FA8]  }
0x2c: {  	s7 =	sld [smem:$0x3FA9]  }
0x2d: {  	s3 =	simm.s32 $0x108;
	s8 =	sld [smem:$0x3FAA]  }
0x2e: {  	s3 =	simm.s32 @!p0 $0x1082;
	s9 =	sld [smem:$0x3FAB]  }
0x2f: {  	lr =	sadd.s32 s0, s3;
	s0 =	sld [smem:$0x3FA2]  }
0x30: {  	s3 =	sld [smem:$0x3FA5]  }
0x31: {  	[smem:$0x3FAE] =	sst s10  }
0x32: {  	s10 =	sld [smem:$0x3FAC];
	_ =	sdelay $0x3  }
0x33: {  	p0 =	seq.s32 s10, $0x1;
	s10 =	sld [smem:$0x3FAE];
	_ =	sdelay $0x3  }
0x34: {  	[smem:$0x3FAE] =	sst s10  }
0x35: {  	s10 =	sld [smem:$0x3FAD];
	_ =	sdelay $0x3  }
0x36: {  	p1 =	seq.s32 s10, $0x1;
	s10 =	sld [smem:$0x3FAE];
	_ =	sdelay $0x3  }
0x37: {  	[smem:$0x3FAE] =	sst s10  }
0x38: {  	s10 =	sld [smem:$0x3FAF]  }
0x39: {  	_ = 	snop;
	(pc) =	sbr.ind lr, $3  }
0x3a: {  	_ = 	snop  }
0x3b: {  	_ = 	snop  }
0x3c: {  	p2 =	seq.s32 s10, $0x1;
	s10 =	sld [smem:$0x3FAE]  }
0x3d: {  	_ =	shalt  }
0x3e: {  	_ =	shalt  }
0x3f: {  	_ =	shalt  }
0x40: {  	_ =	shalt  }
0x41: {  	_ =	shalt  }
0x42: {  	_ =	shalt  }
0x43: {  	_ =	shalt  }
0x44: {  	_ =	shalt  }
0x45: {  	_ =	shalt  }
0x46: {  	_ =	shalt  }
0x47: {  	_ =	shalt  }
0x48: {  	_ =	shalt  }
0x49: {  	_ =	shalt  }
0x4a: {  	_ =	shalt  }
0x4b: {  	_ =	shalt  }
0x4c: {  	_ =	shalt  }
0x4d: {  	_ =	shalt  }
0x4e: {  	_ =	shalt  }
0x4f: {  	_ =	shalt  }
0x50: {  	_ =	shalt  }
0x51: {  	_ =	shalt  }
0x52: {  	_ =	shalt  }
0x53: {  	_ =	shalt  }
0x54: {  	_ =	shalt  }
0x55: {  	_ =	shalt  }
0x56: {  	_ =	shalt  }
0x57: {  	_ =	shalt  }
0x58: {  	_ =	shalt  }
0x59: {  	_ =	shalt  }
0x5a: {  	_ =	shalt  }
0x5b: {  	_ =	shalt  }
0x5c: {  	_ =	shalt  }
0x5d: {  	_ =	shalt  }
0x5e: {  	_ =	shalt  }
0x5f: {  	_ =	shalt  }
0x60: {  	_ =	shalt  }
0x61: {  	_ =	shalt  }
0x62: {  	_ =	shalt  }
0x63: {  	_ =	shalt  }
0x64: {  	_ =	shalt  }
0x65: {  	_ =	shalt  }
0x66: {  	_ =	shalt  }
0x67: {  	_ =	shalt  }
0x68: {  	_ =	shalt  }
0x69: {  	_ =	shalt  }
0x6a: {  	_ =	shalt  }
0x6b: {  	_ =	shalt  }
0x6c: {  	_ =	shalt  }
0x6d: {  	_ =	shalt  }
0x6e: {  	_ =	shalt  }
0x6f: {  	_ =	shalt  }
0x70: {  	_ =	shalt  }
0x71: {  	_ =	shalt  }
0x72: {  	_ =	shalt  }
0x73: {  	_ =	shalt  }
0x74: {  	_ =	shalt  }
0x75: {  	_ =	shalt  }
0x76: {  	_ =	shalt  }
0x77: {  	_ =	shalt  }
0x78: {  	_ =	shalt  }
0x79: {  	_ =	shalt  }
0x7a: {  	_ =	shalt  }
0x7b: {  	_ =	shalt  }
0x7c: {  	_ =	shalt  }
0x7d: {  	_ =	shalt  }
0x7e: {  	_ =	shalt  }
0x7f: {  	_ =	shalt  }
0x80: {  	_ =	shalt  }
0x81: {  	_ =	shalt  }
0x82: {  	_ =	shalt  }
0x83: {  	_ =	shalt  }
0x84: {  	_ =	shalt  }
0x85: {  	_ =	shalt  }
0x86: {  	_ =	shalt  }
0x87: {  	_ =	shalt  }
.Lfunc_end0:
.L_simem_size_0:
called_computation_lowered:
.L_overlay_start_0:
0x88: {  	s2 =	sld [smem:$0x3FD9]  }
0x89: {  	s3 =	sld [smem:$0x3FFE];
	_ =	sdelay $0x1  }
0x8a: {  	s1 =	srdreg.scid  }
0x8b: {  	s0 =	sand.u32 $0x1, s1  }
0x8c: {  	s14 =	sshll.u32 s0, $0xA;
	s2 =	sadd.s32 s3, s2  }
0x8d: {  	s2 =	sadd.s32 s2, s14  }
0x8e: {  	[smem:$0x3FBA] =	sst s2  }
0x8f: {  	_ = 	snop  }
0x90: {  	s2 =	sld [smem:$0x3FD0];
	_ =	sdelay $0x2  }
0x91: {  	s15 =	simm.s32 $0xA;
	s4 =	simm.s32 $0x10  }
0x92: {  	[smem:s4], [sflag:s15] =	dma.local [hbm:s2], $0x1  }
0x93: {  	_ =	swait.eq [sflag:s15], $0x1  }
0x94: {  	[sflag:s15] =	ssyncset.done $0x0  }
0x95: {  	[sflag:s15] =	ssyncadd.s32 $0xFFFFFFFF  }
0x96: {  	s16 =	sld [smem:$0x10];
	(tm) =	ssettm $0x1  }
0x97: {  	s17 =	sld [smem:$0x3FFB];
	_ =	sdelay $0x3  }
0x98: {  	_ =	strace s17  }
0x99: {  	s3 =	sld [smem:$0x3FFC];
	_ =	sdelay $0x3  }
0x9a: {  	_ =	strace s3  }
0x9b: {  	s3 =	sld [smem:$0x3FFD];
	_ =	sdelay $0x3  }
0x9c: {  	_ =	strace s3  }
0x9d: {  	_ =	strace $0x8FFFFFFF  }
0x9e: {  	s18 =	sld [smem:$0x3FDB];
	_ =	sdelay $0x1  }
0x9f: {  	s19 =	simm.s32 $_scs_section_size  }
0xa0: {  	s5 =	simm.s32 $_size__tile_overlayer_lowered;
	s6 =	simm.s32 $_tile_overlayer_lowered  }
0xa1: {  	s22 =	simm.s32 $0x1BFF;
	s21 =	sshll.u32 s6, $0x1;
	s3 =	sadd.s32 s19, s18  }
0xa2: {  	s7 =	simm.s32 $0x0;
	s20 =	sshll.u32 s5, $0x1;
	s5 =	sadd.s32 s21, s3  }
0xa3: {  	[timem:s7], [sflag:s22] =	dma.local [hbm:s5], s20  }
0xa4: {  	_ =	swait.ge [sflag:s22], s20  }
0xa5: {  	s4 =	ssub.s32 $0x0, s20;
	[sflag:s22] =	ssyncset.done $0x0  }
0xa6: {  	[sflag:s22] =	ssyncadd.s32 s4;
	_ =	sdelay $0x1  }
0xa7: {  	s23 =	simm.s32 $0x1B8B  }
0xa8: {  	_ =	swait.ge [sflag:s23], $0x1  }
0xa9: {  	[sflag:s23] =	ssyncset.done $0x0  }
0xaa: {  	s25 =	simm.s32 $0x1B8E;
	s24 =	sld [smem:$0x3FFE];
	[sflag:s23] =	ssyncadd.s32 $0xFFFFFFFF  }
0xab: {  	s26 =	simm.s32 $execute0_lowered;
	[smem:$0x3FD2] =	sst s25  }
0xac: {  	s5 =	sshll.u32 s26, $0x1;
	_ =	strace $0x80000046;
	[dreg:$0x1] =	wrdreg $0xFFFFFFFF  }
0xad: {  	s28 =	simm.s32 $_size_execute0_lowered;
	s3 =	sadd.s32 s3, s5;
	[dreg:$0x0] =	wrdreg $0x0  }
0xae: {  	s5 =	sshll.u32 s28, $0x1;
	[dreg:$0x2] =	wrdreg s3  }
0xaf: {  	[dreg:$0x3] =	wrdreg s5  }
0xb0: {  	[dreg:$0x4] =	wrdreg $0xC0  }
0xb1: {  	_ =	task [dreg:s7], $0x5FFFF  }
0xb2: {  	[dreg:$0x1] =	wrdreg $0xFFFFFFFF  }
0xb3: {  	[dreg:$0x0] =	wrdreg $0x60  }
0xb4: {  	[dreg:$0x2] =	wrdreg s16  }
0xb5: {  	[dreg:$0x3] =	wrdreg s24  }
0xb6: {  	[dreg:$0x4] =	wrdreg $0x9  }
0xb7: {  	_ =	task.clear_ibuf [dreg:s7], $0x5FFFF;
	_ =	strace $0x90000046  }
0xb8: {  	s29 =	simm.s32 $0x9;
	_ =	strace $0x80000048  }
0xb9: {  	_ =	swait.ge [sflag:s29], $0x1  }
0xba: {  	[sflag:s29] =	ssyncadd.s32 $0xFFFFFFFF  }
0xbb: {  	_ =	strace $0x90000048  }
0xbc: {  	_ =	sfence  }
0xbd: {  	s30 =	sld [smem:$0x0];
	_ =	sdelay $0x2  }
0xbe: {  	s31 =	sshll.u32 s1, $0xD;
	s1 =	sshrl.u32 s1, $0x2  }
0xbf: {  	s3 =	sand.u32 $0x4000, s31;
	s1 =	sadd.s32 s1, s30  }
0xc0: {  	s0 =	sor.u32 s3, s0;
	s1 =	sshll.u32 s1, $0x11  }
0xc1: {  	s0 =	sor.u32 s1, s0  }
0xc2: {  	s0 =	sadd.s32 $0x8F2B, s0  }
0xc3: {  	[sflag:s0] =	ssyncadd.remote.s32 $0x1  }
0xc4: {  	_ =	sfence.sel $0xFFFF  }
0xc5: {  	[dreg:$0x0] =	wrdreg $0xFFFFFFFF;
	(pc) =	sbr.abs _section_cstart, $3  }
0xc6: {  	[dreg:$0x1] =	wrdreg $0xFFFFFFFF  }
0xc7: {  	_ =	task.clear_ibuf [dreg:s7], $0x2FFFF;
	_ =	strace $0x9FFFFFFF  }
0xc8: {  	(tm) =	ssettm $0x7FFFFFFF  }
0xc9: {  	_ =	shalt  }
tec
execute0_lowered:
.L_overlay_start_1:
0x0: {  	(tag) =	ssettag $0x1  }
0x1: {  	s0 =	rddreg [dreg:$0x0]  }
0x2: {  	s1 =	srdreg.scid;
	s18 =	stileid.u32  }
0x3: {  	s3 =	rddreg [dreg:$0x1];
	s2 =	simm.s32 $0x0;
	s20 =	simm.s32 $0x100  }
0x4: {  	s21 =	simm.s32 $0x180;
	s22 =	simm.s32 $0x200;
	s9 =	simm.s32 $0x4B00  }
0x5: {  	s23 =	simm.s32 $0x280;
	s10 =	simm.s32 $0x6B00;
	s24 =	simm.s32 $0x300  }
0x6: {  	s11 =	simm.s32 $0x8B00;
	s25 =	simm.s32 $0x380;
	s12 =	simm.s32 $0xAB00  }
0x7: {  	s26 =	simm.s32 $0x400;
	s13 =	simm.s32 $0xCB00;
	[smem:$0x7FF] =	sst s2  }
0x8: {  	s14 =	simm.s32 $0xEB00;
	_ =	strace $0x80000047;
	[dreg:$0x6] =	wrdreg s20  }
0x9: {  	s31 =	simm.s32 $0x480;
	p0 =	por $0x0, $0x0;
	[dreg:$0x7] =	wrdreg s21  }
0xa: {  	s28 =	simm.s32 $0x980;
	s29 =	simm.s32 $0xA00;
	[dreg:$0x8] =	wrdreg s22  }
0xb: {  	s30 =	simm.s32 $0xA80;
	s1 =	sand.u32 $0x1, s1;
	[dreg:$0x9] =	wrdreg s23  }
0xc: {  	s4 =	sshll.u32 s18, $0x1;
	s7 =	sadd.s32 $0x4A00, s3;
	[dreg:$0xa] =	wrdreg s24  }
0xd: {  	s4 =	sor.u32 s1, s4;
	s1 =	ssub.s32 $0x2, s1;
	[dreg:$0xb] =	wrdreg s25  }
0xe: {  	[dreg:$0xc] =	wrdreg s26;
	s20 =	simm.s32 $0x600;
	s21 =	simm.s32 $0x680  }
0xf: {  	s22 =	simm.s32 $0x700;
	s23 =	simm.s32 $0x780;
	s5 =	smul.u32 $0x160, s4  }
0x10: {  	s24 =	simm.s32 $0x800;
	s25 =	simm.s32 $0x880;
	s6 =	smul.u32 $0x2C000, s4  }
0x11: {  	s26 =	simm.s32 $0x900;
	s4 =	smul.u32 $0x5800, s4;
	s8 =	sshrl.u32 s1, $0x1  }
0x12: {  	s1 =	ssub.s32 s1, s8;
	s8 =	simm.s32 $0x2B00;
	s0 =	sadd.s32 s0, s5  }
0x13: {  	s15 =	sshrl.u32 s6, $0x3;
	[dreg:$0x3] =	wrdreg s0;
	s0 =	smax.u32 s1, $0x1  }
0x14: {  	s16 =	sadd.s32 s7, s4;
	s6 =	sadd.s32 $0x2A00, s3;
	p1 =	sne.s32 s0, $0x1  }
.Ltmp0:
0x15: {  	s3 =	simm.s32 $0x2;
	s4 =	simm.s32 $0xB00;
	(pc) =	sbr.rel @!p1 .LBB2_1-.Ltmp0, $4  }
0x16: {  	s5 =	simm.s32 $0x1;
	s17 =	sadd.s32 s7, s15;
	[dreg:$0x4] =	wrdreg s16  }
0x17: {  	s7 =	simm.s32 $0x80;
	s15 =	simm.s32 $0x10B00;
	s16 =	simm.s32 $0x12B00  }
0x18: {  	s19 =	sadd.s32 $0x2C00, s17;
	s1 =	sadd.s32 $0xFFFFFFFF, s0;
	s0 =	rddreg [dreg:$0x3]  }
0x19: {  	s17 =	simm.s32 $0x14B00;
	[dreg:$0x5] =	wrdreg s19;
	s19 =	simm.s32 $0x500  }
0x1a: {  	[tilespmem:s2], [sflag:$0x2] =	stream.linear.gather [hbm4b:s0+s2], $0xB00, $0x38;
	[tilespmem:$0x16B00] =	vst v63  }
0x1b: {  	_ =	swait.ge [sflag:s3], $0xB00  }
0x1c: {  	[sflag:s3] =	ssyncset.done $0x0  }
0x1d: {  	[sflag:s3] =	ssyncadd.s32 $0xFFFFF500  }
0x1e: {  	[tilespmem:s4], [sflag:$0x1] =	stream.indirect.gather [hbm4b:s6+s7], $0x40, s2, s7, $0xb8;
	[tilespmem:$0x16B00] =	vst v63  }
0x1f: {  	_ = 	snop  }
0x20: {  	[tilespmem:s8], [sflag:$0x1] =	stream.indirect.gather [hbm4b:s6+s7], $0x40, s7, s7, $0xb8;
	[tilespmem:$0x16B00] =	vst v63  }
0x21: {  	s0 =	rddreg [dreg:$0x6]  }
0x22: {  	[tilespmem:s9], [sflag:$0x1] =	stream.indirect.gather [hbm4b:s6+s7], $0x40, s0, s7, $0xb8;
	[tilespmem:$0x16B00] =	vst v63  }
0x23: {  	s18 =	smov.u32 s1;
	s1 =	rddreg [dreg:$0x7]  }
0x24: {  	[tilespmem:s10], [sflag:$0x1] =	stream.indirect.gather [hbm4b:s6+s7], $0x40, s1, s7, $0xb8;
	[tilespmem:$0x16B00] =	vst v63  }
0x25: {  	s0 =	rddreg [dreg:$0x8]  }
0x26: {  	[tilespmem:s11], [sflag:$0x1] =	stream.indirect.gather [hbm4b:s6+s7], $0x40, s0, s7, $0xb8;
	[tilespmem:$0x16B00] =	vst v63  }
0x27: {  	s1 =	rddreg [dreg:$0x9]  }
0x28: {  	[tilespmem:s12], [sflag:$0x1] =	stream.indirect.gather [hbm4b:s6+s7], $0x40, s1, s7, $0xb8;
	[tilespmem:$0x16B00] =	vst v63  }
0x29: {  	s0 =	rddreg [dreg:$0xa]  }
0x2a: {  	[tilespmem:s13], [sflag:$0x1] =	stream.indirect.gather [hbm4b:s6+s7], $0x40, s0, s7, $0xb8;
	[tilespmem:$0x16B00] =	vst v63  }
0x2b: {  	s1 =	rddreg [dreg:$0xb]  }
0x2c: {  	[tilespmem:s14], [sflag:$0x1] =	stream.indirect.gather [hbm4b:s6+s7], $0x40, s1, s7, $0xb8;
	[tilespmem:$0x16B00] =	vst v63  }
0x2d: {  	s0 =	rddreg [dreg:$0xc]  }
0x2e: {  	[tilespmem:s15], [sflag:$0x1] =	stream.indirect.gather [hbm4b:s6+s7], $0x40, s0, s7, $0xb8;
	[tilespmem:$0x16B00] =	vst v63  }
0x2f: {  	_ = 	snop  }
0x30: {  	[tilespmem:s16], [sflag:$0x1] =	stream.indirect.gather [hbm4b:s6+s7], $0x40, s31, s7, $0xb8;
	[tilespmem:$0x16B00] =	vst v63  }
0x31: {  	_ = 	snop  }
0x32: {  	[tilespmem:s17], [sflag:$0x1] =	stream.indirect.gather [hbm4b:s6+s7], $0x40, s19, s7, $0xb8;
	[tilespmem:$0x16B00] =	vst v63  }
0x33: {  	_ =	swait.ge [sflag:s5], $0x2000  }
0x34: {  	[sflag:s5] =	ssyncset.done $0x0  }
0x35: {  	[sflag:s5] =	ssyncadd.s32 $0xFFFFE000  }
0x36: {  	_ =	swait.ge [sflag:s5], $0x2000  }
0x37: {  	[sflag:s5] =	ssyncset.done $0x0  }
0x38: {  	[sflag:s5] =	ssyncadd.s32 $0xFFFFE000  }
0x39: {  	_ =	swait.ge [sflag:s5], $0x2000  }
0x3a: {  	[sflag:s5] =	ssyncset.done $0x0  }
0x3b: {  	[sflag:s5] =	ssyncadd.s32 $0xFFFFE000  }
0x3c: {  	_ =	swait.ge [sflag:s5], $0x2000  }
0x3d: {  	[sflag:s5] =	ssyncset.done $0x0  }
0x3e: {  	[sflag:s5] =	ssyncadd.s32 $0xFFFFE000  }
0x3f: {  	_ =	swait.ge [sflag:s5], $0x2000  }
0x40: {  	[sflag:s5] =	ssyncset.done $0x0  }
0x41: {  	[sflag:s5] =	ssyncadd.s32 $0xFFFFE000  }
0x42: {  	_ =	swait.ge [sflag:s5], $0x2000  }
0x43: {  	[sflag:s5] =	ssyncset.done $0x0  }
0x44: {  	[sflag:s5] =	ssyncadd.s32 $0xFFFFE000  }
0x45: {  	_ =	swait.ge [sflag:s5], $0x2000  }
0x46: {  	[sflag:s5] =	ssyncset.done $0x0  }
0x47: {  	[sflag:s5] =	ssyncadd.s32 $0xFFFFE000  }
0x48: {  	_ =	swait.ge [sflag:s5], $0x2000  }
0x49: {  	[sflag:s5] =	ssyncset.done $0x0  }
0x4a: {  	[sflag:s5] =	ssyncadd.s32 $0xFFFFE000  }
0x4b: {  	_ =	swait.ge [sflag:s5], $0x2000  }
0x4c: {  	[sflag:s5] =	ssyncset.done $0x0  }
0x4d: {  	[sflag:s5] =	ssyncadd.s32 $0xFFFFE000  }
0x4e: {  	_ =	swait.ge [sflag:s5], $0x2000  }
0x4f: {  	[sflag:s5] =	ssyncset.done $0x0  }
0x50: {  	[sflag:s5] =	ssyncadd.s32 $0xFFFFE000  }
0x51: {  	_ =	swait.ge [sflag:s5], $0x2000  }
0x52: {  	[sflag:s5] =	ssyncset.done $0x0  }
0x53: {  	s1 =	rddreg [dreg:$0x4];
	[sflag:s5] =	ssyncadd.s32 $0xFFFFE000  }
0x54: {  	[hbm4b:s1+s2] =	stream.linear.scatter [tilespmem:s4], [sflag:$0x2], $0x16000, $0x38;
	[tilespmem:$0x16B00] =	vst v63  }
0x55: {  	_ =	swait.ge [sflag:s3], $0x16000  }
0x56: {  	[sflag:s3] =	ssyncset.done $0x0  }
0x57: {  	s1 =	simm.s32 $0x580;
	[sflag:s3] =	ssyncadd.s32 $0xFFFEA000  }
0x58: {  	[tilespmem:s4], [sflag:$0x1] =	stream.indirect.gather [hbm4b:s6+s7], $0x40, s1, s7, $0xb8;
	[tilespmem:$0x16B00] =	vst v63  }
0x59: {  	_ = 	snop  }
0x5a: {  	[tilespmem:s8], [sflag:$0x1] =	stream.indirect.gather [hbm4b:s6+s7], $0x40, s20, s7, $0xb8;
	[tilespmem:$0x16B00] =	vst v63  }
0x5b: {  	_ = 	snop  }
0x5c: {  	[tilespmem:s9], [sflag:$0x1] =	stream.indirect.gather [hbm4b:s6+s7], $0x40, s21, s7, $0xb8;
	[tilespmem:$0x16B00] =	vst v63  }
0x5d: {  	_ = 	snop  }
0x5e: {  	[tilespmem:s10], [sflag:$0x1] =	stream.indirect.gather [hbm4b:s6+s7], $0x40, s22, s7, $0xb8;
	[tilespmem:$0x16B00] =	vst v63  }
0x5f: {  	_ = 	snop  }
0x60: {  	[tilespmem:s11], [sflag:$0x1] =	stream.indirect.gather [hbm4b:s6+s7], $0x40, s23, s7, $0xb8;
	[tilespmem:$0x16B00] =	vst v63  }
0x61: {  	_ = 	snop  }
0x62: {  	[tilespmem:s12], [sflag:$0x1] =	stream.indirect.gather [hbm4b:s6+s7], $0x40, s24, s7, $0xb8;
	[tilespmem:$0x16B00] =	vst v63  }
0x63: {  	_ = 	snop  }
0x64: {  	[tilespmem:s13], [sflag:$0x1] =	stream.indirect.gather [hbm4b:s6+s7], $0x40, s25, s7, $0xb8;
	[tilespmem:$0x16B00] =	vst v63  }
0x65: {  	_ = 	snop  }
0x66: {  	[tilespmem:s14], [sflag:$0x1] =	stream.indirect.gather [hbm4b:s6+s7], $0x40, s26, s7, $0xb8;
	[tilespmem:$0x16B00] =	vst v63  }
0x67: {  	_ = 	snop  }
0x68: {  	[tilespmem:s15], [sflag:$0x1] =	stream.indirect.gather [hbm4b:s6+s7], $0x40, s28, s7, $0xb8;
	[tilespmem:$0x16B00] =	vst v63  }
0x69: {  	_ = 	snop  }
0x6a: {  	[tilespmem:s16], [sflag:$0x1] =	stream.indirect.gather [hbm4b:s6+s7], $0x40, s29, s7, $0xb8;
	[tilespmem:$0x16B00] =	vst v63  }
0x6b: {  	_ = 	snop  }
0x6c: {  	[tilespmem:s17], [sflag:$0x1] =	stream.indirect.gather [hbm4b:s6+s7], $0x40, s30, s7, $0xb8;
	[tilespmem:$0x16B00] =	vst v63  }
0x6d: {  	_ =	swait.ge [sflag:s5], $0x2000  }
0x6e: {  	[sflag:s5] =	ssyncset.done $0x0  }
0x6f: {  	[sflag:s5] =	ssyncadd.s32 $0xFFFFE000  }
0x70: {  	_ =	swait.ge [sflag:s5], $0x2000  }
0x71: {  	[sflag:s5] =	ssyncset.done $0x0  }
0x72: {  	[sflag:s5] =	ssyncadd.s32 $0xFFFFE000  }
0x73: {  	_ =	swait.ge [sflag:s5], $0x2000  }
0x74: {  	[sflag:s5] =	ssyncset.done $0x0  }
0x75: {  	[sflag:s5] =	ssyncadd.s32 $0xFFFFE000  }
0x76: {  	_ =	swait.ge [sflag:s5], $0x2000  }
0x77: {  	[sflag:s5] =	ssyncset.done $0x0  }
0x78: {  	[sflag:s5] =	ssyncadd.s32 $0xFFFFE000  }
0x79: {  	_ =	swait.ge [sflag:s5], $0x2000  }
0x7a: {  	[sflag:s5] =	ssyncset.done $0x0  }
0x7b: {  	[sflag:s5] =	ssyncadd.s32 $0xFFFFE000  }
0x7c: {  	_ =	swait.ge [sflag:s5], $0x2000  }
0x7d: {  	[sflag:s5] =	ssyncset.done $0x0  }
0x7e: {  	[sflag:s5] =	ssyncadd.s32 $0xFFFFE000  }
0x7f: {  	_ =	swait.ge [sflag:s5], $0x2000  }
0x80: {  	[sflag:s5] =	ssyncset.done $0x0  }
0x81: {  	[sflag:s5] =	ssyncadd.s32 $0xFFFFE000  }
0x82: {  	_ =	swait.ge [sflag:s5], $0x2000  }
0x83: {  	[sflag:s5] =	ssyncset.done $0x0  }
0x84: {  	[sflag:s5] =	ssyncadd.s32 $0xFFFFE000  }
0x85: {  	_ =	swait.ge [sflag:s5], $0x2000  }
0x86: {  	[sflag:s5] =	ssyncset.done $0x0  }
0x87: {  	[sflag:s5] =	ssyncadd.s32 $0xFFFFE000  }
0x88: {  	_ =	swait.ge [sflag:s5], $0x2000  }
0x89: {  	[sflag:s5] =	ssyncset.done $0x0  }
0x8a: {  	[sflag:s5] =	ssyncadd.s32 $0xFFFFE000  }
0x8b: {  	p1 =	sne.s32 s18, $0x1;
	_ =	swait.ge [sflag:s5], $0x2000  }
.Ltmp1:
0x8c: {  	[sflag:s5] =	ssyncset.done $0x0;
	(pc) =	sbr.rel @!p1 .LBB2_3-.Ltmp1, $4  }
0x8d: {  	s1 =	rddreg [dreg:$0x5];
	[sflag:s5] =	ssyncadd.s32 $0xFFFFE000  }
0x8e: {  	[hbm4b:s1+s2] =	stream.linear.scatter [tilespmem:s4], [sflag:$0x2], $0x16000, $0x38;
	[tilespmem:$0x16B00] =	vst v63  }
0x8f: {  	p0 =	por $0x1, $0x1;
	_ =	swait.ge [sflag:s3], $0x16000  }
0x90: {  	s1 =	sadd.s32 $0xFFFFFFFF, s18;
	s0 =	rddreg [dreg:$0x3];
	[sflag:s3] =	ssyncset.done $0x0  }
.LBB2_4:
0x91: {  	[sflag:s3] =	ssyncadd.s32 $0xFFFEA000  }
0x92: {  	[tilespmem:s2], [sflag:$0x2] =	stream.linear.gather [hbm4b:s0+s2], $0xB00, $0x38;
	[tilespmem:$0x16B00] =	vst v63  }
0x93: {  	_ =	swait.ge [sflag:s3], $0xB00  }
0x94: {  	[sflag:s3] =	ssyncset.done $0x0  }
0x95: {  	[sflag:s3] =	ssyncadd.s32 $0xFFFFF500  }
0x96: {  	[tilespmem:s4], [sflag:$0x1] =	stream.indirect.gather [hbm4b:s6+s7], $0x40, s2, s7, $0xb8;
	[tilespmem:$0x16B00] =	vst v63  }
0x97: {  	_ = 	snop  }
0x98: {  	[tilespmem:s8], [sflag:$0x1] =	stream.indirect.gather [hbm4b:s6+s7], $0x40, s7, s7, $0xb8;
	[tilespmem:$0x16B00] =	vst v63  }
0x99: {  	s0 =	rddreg [dreg:$0x6]  }
0x9a: {  	[tilespmem:s9], [sflag:$0x1] =	stream.indirect.gather [hbm4b:s6+s7], $0x40, s0, s7, $0xb8;
	[tilespmem:$0x16B00] =	vst v63  }
0x9b: {  	s18 =	rddreg [dreg:$0x7]  }
0x9c: {  	[tilespmem:s10], [sflag:$0x1] =	stream.indirect.gather [hbm4b:s6+s7], $0x40, s18, s7, $0xb8;
	[tilespmem:$0x16B00] =	vst v63  }
0x9d: {  	s0 =	rddreg [dreg:$0x8]  }
0x9e: {  	[tilespmem:s11], [sflag:$0x1] =	stream.indirect.gather [hbm4b:s6+s7], $0x40, s0, s7, $0xb8;
	[tilespmem:$0x16B00] =	vst v63  }
0x9f: {  	s18 =	rddreg [dreg:$0x9]  }
0xa0: {  	[tilespmem:s12], [sflag:$0x1] =	stream.indirect.gather [hbm4b:s6+s7], $0x40, s18, s7, $0xb8;
	[tilespmem:$0x16B00] =	vst v63  }
0xa1: {  	s0 =	rddreg [dreg:$0xa]  }
0xa2: {  	[tilespmem:s13], [sflag:$0x1] =	stream.indirect.gather [hbm4b:s6+s7], $0x40, s0, s7, $0xb8;
	[tilespmem:$0x16B00] =	vst v63  }
0xa3: {  	s18 =	rddreg [dreg:$0xb]  }
0xa4: {  	[tilespmem:s14], [sflag:$0x1] =	stream.indirect.gather [hbm4b:s6+s7], $0x40, s18, s7, $0xb8;
	[tilespmem:$0x16B00] =	vst v63  }
0xa5: {  	s0 =	rddreg [dreg:$0xc]  }
0xa6: {  	[tilespmem:s15], [sflag:$0x1] =	stream.indirect.gather [hbm4b:s6+s7], $0x40, s0, s7, $0xb8;
	[tilespmem:$0x16B00] =	vst v63  }
0xa7: {  	_ = 	snop  }
0xa8: {  	[tilespmem:s16], [sflag:$0x1] =	stream.indirect.gather [hbm4b:s6+s7], $0x40, s31, s7, $0xb8;
	[tilespmem:$0x16B00] =	vst v63  }
0xa9: {  	_ = 	snop  }
0xaa: {  	[tilespmem:s17], [sflag:$0x1] =	stream.indirect.gather [hbm4b:s6+s7], $0x40, s19, s7, $0xb8;
	[tilespmem:$0x16B00] =	vst v63  }
0xab: {  	_ =	swait.ge [sflag:s5], $0x2000  }
0xac: {  	[sflag:s5] =	ssyncset.done $0x0  }
0xad: {  	[sflag:s5] =	ssyncadd.s32 $0xFFFFE000  }
0xae: {  	_ =	swait.ge [sflag:s5], $0x2000  }
0xaf: {  	[sflag:s5] =	ssyncset.done $0x0  }
0xb0: {  	[sflag:s5] =	ssyncadd.s32 $0xFFFFE000  }
0xb1: {  	_ =	swait.ge [sflag:s5], $0x2000  }
0xb2: {  	[sflag:s5] =	ssyncset.done $0x0  }
0xb3: {  	[sflag:s5] =	ssyncadd.s32 $0xFFFFE000  }
0xb4: {  	_ =	swait.ge [sflag:s5], $0x2000  }
0xb5: {  	[sflag:s5] =	ssyncset.done $0x0  }
0xb6: {  	[sflag:s5] =	ssyncadd.s32 $0xFFFFE000  }
0xb7: {  	_ =	swait.ge [sflag:s5], $0x2000  }
0xb8: {  	[sflag:s5] =	ssyncset.done $0x0  }
0xb9: {  	[sflag:s5] =	ssyncadd.s32 $0xFFFFE000  }
0xba: {  	_ =	swait.ge [sflag:s5], $0x2000  }
0xbb: {  	[sflag:s5] =	ssyncset.done $0x0  }
0xbc: {  	[sflag:s5] =	ssyncadd.s32 $0xFFFFE000  }
0xbd: {  	_ =	swait.ge [sflag:s5], $0x2000  }
0xbe: {  	[sflag:s5] =	ssyncset.done $0x0  }
0xbf: {  	[sflag:s5] =	ssyncadd.s32 $0xFFFFE000  }
0xc0: {  	_ =	swait.ge [sflag:s5], $0x2000  }
0xc1: {  	[sflag:s5] =	ssyncset.done $0x0  }
0xc2: {  	[sflag:s5] =	ssyncadd.s32 $0xFFFFE000  }
0xc3: {  	_ =	swait.ge [sflag:s5], $0x2000  }
0xc4: {  	[sflag:s5] =	ssyncset.done $0x0  }
0xc5: {  	[sflag:s5] =	ssyncadd.s32 $0xFFFFE000  }
0xc6: {  	_ =	swait.ge [sflag:s5], $0x2000  }
0xc7: {  	[sflag:s5] =	ssyncset.done $0x0  }
0xc8: {  	[sflag:s5] =	ssyncadd.s32 $0xFFFFE000  }
0xc9: {  	_ =	swait.ge [sflag:s5], $0x2000  }
0xca: {  	[sflag:s5] =	ssyncset.done $0x0  }
0xcb: {  	s18 =	rddreg [dreg:$0x4];
	[sflag:s5] =	ssyncadd.s32 $0xFFFFE000  }
0xcc: {  	[hbm4b:s18+s2] =	stream.linear.scatter [tilespmem:s4], [sflag:$0x2], $0x16000, $0x38;
	[tilespmem:$0x16B00] =	vst v63  }
0xcd: {  	_ =	swait.ge [sflag:s3], $0x16000  }
0xce: {  	[sflag:s3] =	ssyncset.done $0x0  }
0xcf: {  	s18 =	simm.s32 $0x580;
	[sflag:s3] =	ssyncadd.s32 $0xFFFEA000  }
0xd0: {  	[tilespmem:s4], [sflag:$0x1] =	stream.indirect.gather [hbm4b:s6+s7], $0x40, s18, s7, $0xb8;
	[tilespmem:$0x16B00] =	vst v63  }
0xd1: {  	_ = 	snop  }
0xd2: {  	[tilespmem:s8], [sflag:$0x1] =	stream.indirect.gather [hbm4b:s6+s7], $0x40, s20, s7, $0xb8;
	[tilespmem:$0x16B00] =	vst v63  }
0xd3: {  	_ = 	snop  }
0xd4: {  	[tilespmem:s9], [sflag:$0x1] =	stream.indirect.gather [hbm4b:s6+s7], $0x40, s21, s7, $0xb8;
	[tilespmem:$0x16B00] =	vst v63  }
0xd5: {  	_ = 	snop  }
0xd6: {  	[tilespmem:s10], [sflag:$0x1] =	stream.indirect.gather [hbm4b:s6+s7], $0x40, s22, s7, $0xb8;
	[tilespmem:$0x16B00] =	vst v63  }
0xd7: {  	_ = 	snop  }
0xd8: {  	[tilespmem:s11], [sflag:$0x1] =	stream.indirect.gather [hbm4b:s6+s7], $0x40, s23, s7, $0xb8;
	[tilespmem:$0x16B00] =	vst v63  }
0xd9: {  	_ = 	snop  }
0xda: {  	[tilespmem:s12], [sflag:$0x1] =	stream.indirect.gather [hbm4b:s6+s7], $0x40, s24, s7, $0xb8;
	[tilespmem:$0x16B00] =	vst v63  }
0xdb: {  	_ = 	snop  }
0xdc: {  	[tilespmem:s13], [sflag:$0x1] =	stream.indirect.gather [hbm4b:s6+s7], $0x40, s25, s7, $0xb8;
	[tilespmem:$0x16B00] =	vst v63  }
0xdd: {  	_ = 	snop  }
0xde: {  	[tilespmem:s14], [sflag:$0x1] =	stream.indirect.gather [hbm4b:s6+s7], $0x40, s26, s7, $0xb8;
	[tilespmem:$0x16B00] =	vst v63  }
0xdf: {  	_ = 	snop  }
0xe0: {  	[tilespmem:s15], [sflag:$0x1] =	stream.indirect.gather [hbm4b:s6+s7], $0x40, s28, s7, $0xb8;
	[tilespmem:$0x16B00] =	vst v63  }
0xe1: {  	_ = 	snop  }
0xe2: {  	[tilespmem:s16], [sflag:$0x1] =	stream.indirect.gather [hbm4b:s6+s7], $0x40, s29, s7, $0xb8;
	[tilespmem:$0x16B00] =	vst v63  }
0xe3: {  	_ = 	snop  }
0xe4: {  	[tilespmem:s17], [sflag:$0x1] =	stream.indirect.gather [hbm4b:s6+s7], $0x40, s30, s7, $0xb8;
	[tilespmem:$0x16B00] =	vst v63  }
0xe5: {  	_ =	swait.ge [sflag:s5], $0x2000  }
0xe6: {  	[sflag:s5] =	ssyncset.done $0x0  }
0xe7: {  	[sflag:s5] =	ssyncadd.s32 $0xFFFFE000  }
0xe8: {  	_ =	swait.ge [sflag:s5], $0x2000  }
0xe9: {  	[sflag:s5] =	ssyncset.done $0x0  }
0xea: {  	[sflag:s5] =	ssyncadd.s32 $0xFFFFE000  }
0xeb: {  	_ =	swait.ge [sflag:s5], $0x2000  }
0xec: {  	[sflag:s5] =	ssyncset.done $0x0  }
0xed: {  	[sflag:s5] =	ssyncadd.s32 $0xFFFFE000  }
0xee: {  	_ =	swait.ge [sflag:s5], $0x2000  }
0xef: {  	[sflag:s5] =	ssyncset.done $0x0  }
0xf0: {  	[sflag:s5] =	ssyncadd.s32 $0xFFFFE000  }
0xf1: {  	_ =	swait.ge [sflag:s5], $0x2000  }
0xf2: {  	[sflag:s5] =	ssyncset.done $0x0  }
0xf3: {  	[sflag:s5] =	ssyncadd.s32 $0xFFFFE000  }
0xf4: {  	_ =	swait.ge [sflag:s5], $0x2000  }
0xf5: {  	[sflag:s5] =	ssyncset.done $0x0  }
0xf6: {  	[sflag:s5] =	ssyncadd.s32 $0xFFFFE000  }
0xf7: {  	_ =	swait.ge [sflag:s5], $0x2000  }
0xf8: {  	[sflag:s5] =	ssyncset.done $0x0  }
0xf9: {  	[sflag:s5] =	ssyncadd.s32 $0xFFFFE000  }
0xfa: {  	_ =	swait.ge [sflag:s5], $0x2000  }
0xfb: {  	[sflag:s5] =	ssyncset.done $0x0  }
0xfc: {  	[sflag:s5] =	ssyncadd.s32 $0xFFFFE000  }
0xfd: {  	_ =	swait.ge [sflag:s5], $0x2000  }
0xfe: {  	[sflag:s5] =	ssyncset.done $0x0  }
0xff: {  	[sflag:s5] =	ssyncadd.s32 $0xFFFFE000  }
0x100: {  	_ =	swait.ge [sflag:s5], $0x2000  }
0x101: {  	[sflag:s5] =	ssyncset.done $0x0  }
0x102: {  	[sflag:s5] =	ssyncadd.s32 $0xFFFFE000  }
0x103: {  	p1 =	sne.s32 s1, $0x1;
	_ =	swait.ge [sflag:s5], $0x2000  }
.Ltmp2:
0x104: {  	[sflag:s5] =	ssyncset.done $0x0;
	(pc) =	sbr.rel @p1 .LBB2_4-.Ltmp2, $4  }
0x105: {  	s18 =	rddreg [dreg:$0x5];
	[sflag:s5] =	ssyncadd.s32 $0xFFFFE000  }
0x106: {  	[hbm4b:s18+s2] =	stream.linear.scatter [tilespmem:s4], [sflag:$0x2], $0x16000, $0x38;
	[tilespmem:$0x16B00] =	vst v63  }
0x107: {  	_ =	swait.ge [sflag:s3], $0x16000  }
0x108: {  	s1 =	sadd.s32 $0xFFFFFFFF, s1;
	s0 =	rddreg [dreg:$0x3];
	[sflag:s3] =	ssyncset.done $0x0  }
0x109: {  	s30 =	simm.s32 $0x500  }
0x10a: {  	s31 =	simm.s32 $0x480;
	s29 =	simm.s32 $0xA00;
	s28 =	simm.s32 $0x980  }
0x10b: {  	s26 =	simm.s32 $0x900;
	s25 =	simm.s32 $0x880;
	s24 =	simm.s32 $0x800  }
0x10c: {  	s23 =	simm.s32 $0x780;
	s22 =	simm.s32 $0x700;
	s21 =	simm.s32 $0x680  }
0x10d: {  	s20 =	simm.s32 $0x600;
	s19 =	simm.s32 $0x580;
	s18 =	stileid.u32  }
.LBB2_6:
0x10e: {  	[sflag:s3] =	ssyncadd.s32 @p0 $0xFFFEA000  }
0x10f: {  	[tilespmem:s2], [sflag:$0x2] =	stream.linear.gather [hbm4b:s0+s2], $0xB00, $0x38;
	[tilespmem:$0x16B00] =	vst v63  }
0x110: {  	_ =	swait.ge [sflag:s3], $0xB00  }
0x111: {  	[sflag:s3] =	ssyncset.done $0x0  }
0x112: {  	[sflag:s3] =	ssyncadd.s32 $0xFFFFF500  }
0x113: {  	[tilespmem:s4], [sflag:$0x1] =	stream.indirect.gather [hbm4b:s6+s7], $0x40, s2, s7, $0xb8;
	[tilespmem:$0x16B00] =	vst v63  }
0x114: {  	_ = 	snop  }
0x115: {  	[tilespmem:s8], [sflag:$0x1] =	stream.indirect.gather [hbm4b:s6+s7], $0x40, s7, s7, $0xb8;
	[tilespmem:$0x16B00] =	vst v63  }
0x116: {  	s0 =	rddreg [dreg:$0x6]  }
0x117: {  	[tilespmem:s9], [sflag:$0x1] =	stream.indirect.gather [hbm4b:s6+s7], $0x40, s0, s7, $0xb8;
	[tilespmem:$0x16B00] =	vst v63  }
0x118: {  	s1 =	rddreg [dreg:$0x7]  }
0x119: {  	[tilespmem:s10], [sflag:$0x1] =	stream.indirect.gather [hbm4b:s6+s7], $0x40, s1, s7, $0xb8;
	[tilespmem:$0x16B00] =	vst v63  }
0x11a: {  	s0 =	rddreg [dreg:$0x8]  }
0x11b: {  	[tilespmem:s11], [sflag:$0x1] =	stream.indirect.gather [hbm4b:s6+s7], $0x40, s0, s7, $0xb8;
	[tilespmem:$0x16B00] =	vst v63  }
0x11c: {  	s1 =	rddreg [dreg:$0x9]  }
0x11d: {  	[tilespmem:s12], [sflag:$0x1] =	stream.indirect.gather [hbm4b:s6+s7], $0x40, s1, s7, $0xb8;
	[tilespmem:$0x16B00] =	vst v63  }
0x11e: {  	s0 =	rddreg [dreg:$0xa]  }
0x11f: {  	[tilespmem:s13], [sflag:$0x1] =	stream.indirect.gather [hbm4b:s6+s7], $0x40, s0, s7, $0xb8;
	[tilespmem:$0x16B00] =	vst v63  }
0x120: {  	s1 =	rddreg [dreg:$0xb]  }
0x121: {  	[tilespmem:s14], [sflag:$0x1] =	stream.indirect.gather [hbm4b:s6+s7], $0x40, s1, s7, $0xb8;
	[tilespmem:$0x16B00] =	vst v63  }
0x122: {  	s0 =	rddreg [dreg:$0xc]  }
0x123: {  	[tilespmem:s15], [sflag:$0x1] =	stream.indirect.gather [hbm4b:s6+s7], $0x40, s0, s7, $0xb8;
	[tilespmem:$0x16B00] =	vst v63  }
0x124: {  	_ = 	snop  }
0x125: {  	[tilespmem:s16], [sflag:$0x1] =	stream.indirect.gather [hbm4b:s6+s7], $0x40, s31, s7, $0xb8;
	[tilespmem:$0x16B00] =	vst v63  }
0x126: {  	_ = 	snop  }
0x127: {  	[tilespmem:s17], [sflag:$0x1] =	stream.indirect.gather [hbm4b:s6+s7], $0x40, s30, s7, $0xb8;
	[tilespmem:$0x16B00] =	vst v63  }
0x128: {  	_ =	swait.ge [sflag:s5], $0x2000  }
0x129: {  	[sflag:s5] =	ssyncset.done $0x0  }
0x12a: {  	[sflag:s5] =	ssyncadd.s32 $0xFFFFE000  }
0x12b: {  	_ =	swait.ge [sflag:s5], $0x2000  }
0x12c: {  	[sflag:s5] =	ssyncset.done $0x0  }
0x12d: {  	[sflag:s5] =	ssyncadd.s32 $0xFFFFE000  }
0x12e: {  	_ =	swait.ge [sflag:s5], $0x2000  }
0x12f: {  	[sflag:s5] =	ssyncset.done $0x0  }
0x130: {  	[sflag:s5] =	ssyncadd.s32 $0xFFFFE000  }
0x131: {  	_ =	swait.ge [sflag:s5], $0x2000  }
0x132: {  	[sflag:s5] =	ssyncset.done $0x0  }
0x133: {  	[sflag:s5] =	ssyncadd.s32 $0xFFFFE000  }
0x134: {  	_ =	swait.ge [sflag:s5], $0x2000  }
0x135: {  	[sflag:s5] =	ssyncset.done $0x0  }
0x136: {  	[sflag:s5] =	ssyncadd.s32 $0xFFFFE000  }
0x137: {  	_ =	swait.ge [sflag:s5], $0x2000  }
0x138: {  	[sflag:s5] =	ssyncset.done $0x0  }
0x139: {  	[sflag:s5] =	ssyncadd.s32 $0xFFFFE000  }
0x13a: {  	_ =	swait.ge [sflag:s5], $0x2000  }
0x13b: {  	[sflag:s5] =	ssyncset.done $0x0  }
0x13c: {  	[sflag:s5] =	ssyncadd.s32 $0xFFFFE000  }
0x13d: {  	_ =	swait.ge [sflag:s5], $0x2000  }
0x13e: {  	[sflag:s5] =	ssyncset.done $0x0  }
0x13f: {  	[sflag:s5] =	ssyncadd.s32 $0xFFFFE000  }
0x140: {  	_ =	swait.ge [sflag:s5], $0x2000  }
0x141: {  	[sflag:s5] =	ssyncset.done $0x0  }
0x142: {  	[sflag:s5] =	ssyncadd.s32 $0xFFFFE000  }
0x143: {  	_ =	swait.ge [sflag:s5], $0x2000  }
0x144: {  	[sflag:s5] =	ssyncset.done $0x0  }
0x145: {  	[sflag:s5] =	ssyncadd.s32 $0xFFFFE000  }
0x146: {  	_ =	swait.ge [sflag:s5], $0x2000  }
0x147: {  	[sflag:s5] =	ssyncset.done $0x0  }
0x148: {  	s1 =	rddreg [dreg:$0x4];
	[sflag:s5] =	ssyncadd.s32 $0xFFFFE000  }
0x149: {  	[hbm4b:s1+s2] =	stream.linear.scatter [tilespmem:s4], [sflag:$0x2], $0x16000, $0x38;
	[tilespmem:$0x16B00] =	vst v63  }
0x14a: {  	_ =	swait.ge [sflag:s3], $0x16000  }
0x14b: {  	[sflag:s3] =	ssyncset.done $0x0  }
0x14c: {  	[sflag:s3] =	ssyncadd.s32 $0xFFFEA000  }
0x14d: {  	[tilespmem:s4], [sflag:$0x1] =	stream.indirect.gather [hbm4b:s6+s7], $0x40, s19, s7, $0xb8;
	[tilespmem:$0x16B00] =	vst v63  }
0x14e: {  	_ = 	snop  }
0x14f: {  	[tilespmem:s8], [sflag:$0x1] =	stream.indirect.gather [hbm4b:s6+s7], $0x40, s20, s7, $0xb8;
	[tilespmem:$0x16B00] =	vst v63  }
0x150: {  	_ = 	snop  }
0x151: {  	[tilespmem:s9], [sflag:$0x1] =	stream.indirect.gather [hbm4b:s6+s7], $0x40, s21, s7, $0xb8;
	[tilespmem:$0x16B00] =	vst v63  }
0x152: {  	_ = 	snop  }
0x153: {  	[tilespmem:s10], [sflag:$0x1] =	stream.indirect.gather [hbm4b:s6+s7], $0x40, s22, s7, $0xb8;
	[tilespmem:$0x16B00] =	vst v63  }
0x154: {  	_ = 	snop  }
0x155: {  	[tilespmem:s11], [sflag:$0x1] =	stream.indirect.gather [hbm4b:s6+s7], $0x40, s23, s7, $0xb8;
	[tilespmem:$0x16B00] =	vst v63  }
0x156: {  	_ = 	snop  }
0x157: {  	[tilespmem:s12], [sflag:$0x1] =	stream.indirect.gather [hbm4b:s6+s7], $0x40, s24, s7, $0xb8;
	[tilespmem:$0x16B00] =	vst v63  }
0x158: {  	_ = 	snop  }
0x159: {  	[tilespmem:s13], [sflag:$0x1] =	stream.indirect.gather [hbm4b:s6+s7], $0x40, s25, s7, $0xb8;
	[tilespmem:$0x16B00] =	vst v63  }
0x15a: {  	_ = 	snop  }
0x15b: {  	[tilespmem:s14], [sflag:$0x1] =	stream.indirect.gather [hbm4b:s6+s7], $0x40, s26, s7, $0xb8;
	[tilespmem:$0x16B00] =	vst v63  }
0x15c: {  	_ = 	snop  }
0x15d: {  	[tilespmem:s15], [sflag:$0x1] =	stream.indirect.gather [hbm4b:s6+s7], $0x40, s28, s7, $0xb8;
	[tilespmem:$0x16B00] =	vst v63  }
0x15e: {  	_ = 	snop  }
0x15f: {  	[tilespmem:s16], [sflag:$0x1] =	stream.indirect.gather [hbm4b:s6+s7], $0x40, s29, s7, $0xb8;
	[tilespmem:$0x16B00] =	vst v63  }
0x160: {  	s30 =	simm.s32 $0xA80  }
0x161: {  	[tilespmem:s17], [sflag:$0x1] =	stream.indirect.gather [hbm4b:s6+s7], $0x40, s30, s7, $0xb8;
	[tilespmem:$0x16B00] =	vst v63  }
0x162: {  	_ =	swait.ge [sflag:s5], $0x2000  }
0x163: {  	[sflag:s5] =	ssyncset.done $0x0  }
0x164: {  	[sflag:s5] =	ssyncadd.s32 $0xFFFFE000  }
0x165: {  	_ =	swait.ge [sflag:s5], $0x2000  }
0x166: {  	[sflag:s5] =	ssyncset.done $0x0  }
0x167: {  	[sflag:s5] =	ssyncadd.s32 $0xFFFFE000  }
0x168: {  	_ =	swait.ge [sflag:s5], $0x2000  }
0x169: {  	[sflag:s5] =	ssyncset.done $0x0  }
0x16a: {  	[sflag:s5] =	ssyncadd.s32 $0xFFFFE000  }
0x16b: {  	_ =	swait.ge [sflag:s5], $0x2000  }
0x16c: {  	[sflag:s5] =	ssyncset.done $0x0  }
0x16d: {  	[sflag:s5] =	ssyncadd.s32 $0xFFFFE000  }
0x16e: {  	_ =	swait.ge [sflag:s5], $0x2000  }
0x16f: {  	[sflag:s5] =	ssyncset.done $0x0  }
0x170: {  	[sflag:s5] =	ssyncadd.s32 $0xFFFFE000  }
0x171: {  	_ =	swait.ge [sflag:s5], $0x2000  }
0x172: {  	[sflag:s5] =	ssyncset.done $0x0  }
0x173: {  	[sflag:s5] =	ssyncadd.s32 $0xFFFFE000  }
0x174: {  	_ =	swait.ge [sflag:s5], $0x2000  }
0x175: {  	[sflag:s5] =	ssyncset.done $0x0  }
0x176: {  	[sflag:s5] =	ssyncadd.s32 $0xFFFFE000  }
0x177: {  	_ =	swait.ge [sflag:s5], $0x2000  }
0x178: {  	[sflag:s5] =	ssyncset.done $0x0  }
0x179: {  	[sflag:s5] =	ssyncadd.s32 $0xFFFFE000  }
0x17a: {  	_ =	swait.ge [sflag:s5], $0x2000  }
0x17b: {  	[sflag:s5] =	ssyncset.done $0x0  }
0x17c: {  	[sflag:s5] =	ssyncadd.s32 $0xFFFFE000  }
0x17d: {  	_ =	swait.ge [sflag:s5], $0x2000  }
0x17e: {  	[sflag:s5] =	ssyncset.done $0x0  }
0x17f: {  	[sflag:s5] =	ssyncadd.s32 $0xFFFFE000  }
0x180: {  	_ =	swait.ge [sflag:s5], $0x2000  }
0x181: {  	[sflag:s5] =	ssyncset.done $0x0  }
0x182: {  	s31 =	rddreg [dreg:$0x5];
	[sflag:s5] =	ssyncadd.s32 $0xFFFFE000  }
0x183: {  	[hbm4b:s31+s2] =	stream.linear.scatter [tilespmem:s4], [sflag:$0x2], $0x16000, $0x38;
	[tilespmem:$0x16B00] =	vst v63  }
0x184: {  	_ =	swait.ge [sflag:s3], $0x16000  }
0x185: {  	[sflag:s3] =	ssyncset.done $0x0  }
0x186: {  	[sflag:s3] =	ssyncadd.s32 $0xFFFEA000  }
0x187: {  	_ =	sfence.sel $0x180000  }
0x188: {  	[bflag:$0x0] =	sbarrier.arrive $0xFFFF  }
0x189: {  	_ =	strace $0x90000047  }
0x18a: {  	[bflag:$0x2] =	sbarrier.arrive $0xFFFF  }
0x18b: {  	p0 =	sne.s32 s18, $0x0;
	s0 =	rddreg [dreg:$0x2]  }
0x18c: {  	s0 =	sadd.s32 @!p0 $0x100000, s0  }
0x18d: {  	[sflag:s0] =	ssyncadd.tile.s32 @!p0 $0x1;
	_ =	shalt  }
.LBB2_1:
.Ltmp3:
0x18e: {  	(pc) =	sbr.rel .LBB2_6-.Ltmp3, $4  }
0x18f: {  	s30 =	simm.s32 $0x500;
	s31 =	simm.s32 $0x480;
	s29 =	simm.s32 $0xA00  }
0x190: {  	s28 =	simm.s32 $0x980;
	s26 =	simm.s32 $0x900;
	s25 =	simm.s32 $0x880  }
0x191: {  	s24 =	simm.s32 $0x800;
	s23 =	simm.s32 $0x780;
	s22 =	simm.s32 $0x700  }
0x192: {  	s21 =	simm.s32 $0x680;
	s20 =	simm.s32 $0x600;
	s19 =	simm.s32 $0x580  }
.LBB2_3:
.Ltmp4:
0x193: {  	s30 =	simm.s32 $0x500;
	(pc) =	sbr.rel .LBB2_6-.Ltmp4, $4  }
0x194: {  	s31 =	simm.s32 $0x480;
	s29 =	simm.s32 $0xA00;
	s28 =	simm.s32 $0x980  }
0x195: {  	s26 =	simm.s32 $0x900;
	s25 =	simm.s32 $0x880;
	s24 =	simm.s32 $0x800  }
0x196: {  	s23 =	simm.s32 $0x780;
	s22 =	simm.s32 $0x700;
	s21 =	simm.s32 $0x680  }
0x197: {  	s20 =	simm.s32 $0x600;
	s19 =	simm.s32 $0x580;
	s18 =	stileid.u32  }
.Lfunc_end2:
_tile_overlayer_lowered:
.L_overlay_start_2:
0x198: {  	(tag) =	ssettag $0x2  }
0x199: {  	s0 =	rddreg [dreg:$0x0];
	s2 =	stileid.u32  }
0x19a: {  	s1 =	rddreg [dreg:$0x1];
	p0 =	sne.s32 s2, $0x0  }
0x19b: {  	s3 =	rddreg [dreg:$0x2];
	[bflag:$0x3] =	sbarrier.arrive $0xFFFF;
	s2 =	simm.s32 @!p0 $0x1C02  }
0x19c: {  	[timem:s3], [sflag:s2] =	dma.local @!p0 [hbm:s0], s1  }
0x19d: {  	s0 =	simm.s32 @!p0 $0x2  }
0x19e: {  	_ =	swait.ge @!p0 [sflag:s0], s1  }
0x19f: {  	s1 =	ssub.s32 @!p0 $0x0, s1;
	[sflag:s0] =	ssyncset.done @!p0 $0x0  }
0x1a0: {  	[sflag:s0] =	ssyncadd.s32 @!p0 s1  }
0x1a1: {  	[bflag:$0x3] =	sbarrier.arrive $0xFFFF  }
0x1a2: {  	_ =	shalt  }

</sc_bundles>
